<compile_context>
chip_gen: v7x
topology: tpu7x:2x2x1
jax: 0.10.2.dev20260603
libtpu: 0.0.44.dev20260713+nightly
codegen_flags: <defaults>
</compile_context>

<pallas_src>
import functools

import jax
import jax.numpy as jnp
from jax import lax
from jax.experimental import pallas as pl
from jax.experimental.pallas import tpu as pltpu
from jax.experimental.pallas import tpu_sc as plsc

N_CODES = 8192
DIM = 32
N_VECS = 8192
BM = 512
COMMIT = 0.25


N_WIN = 4


def _argmin_body(f_ref, et_ref, idx_ref):
    f = f_ref[...]
    et = et_ref[...]
    dot = jnp.dot((-2.0 * f).astype(jnp.bfloat16), et.astype(jnp.bfloat16),
                  preferred_element_type=jnp.float32)
    rn = jnp.sum(f * f, axis=1, keepdims=True)
    cn = jnp.sum(et * et, axis=0, keepdims=True)
    d = (rn + dot) + cn
    iota_f = lax.broadcasted_iota(jnp.int32, (1, N_CODES), 1).astype(jnp.float32)
    wsz = N_CODES // N_WIN
    run_v = jnp.full((BM, 1), jnp.inf, jnp.float32)
    run_i = jnp.zeros((BM, 1), jnp.float32)
    for w in range(N_WIN):
        seg = d[:, w * wsz:(w + 1) * wsz]
        mv = jnp.min(seg, axis=1, keepdims=True)
        mi = jnp.min(jnp.where(seg == mv,
                               iota_f[:, w * wsz:(w + 1) * wsz],
                               jnp.float32(2.0**30)), axis=1, keepdims=True)
        take = mv < run_v
        run_i = jnp.where(take, mi, run_i)
        run_v = jnp.where(take, mv, run_v)
        run_v = run_v.astype(jnp.bfloat16).astype(jnp.float32)
    idx_ref[0, 0, :] = run_i[:, 0].astype(jnp.int32)


def _argmin_call(flat, et):
    grid = N_VECS // BM
    return pl.pallas_call(
        _argmin_body,
        grid=(grid,),
        in_specs=[
            pl.BlockSpec((BM, DIM), lambda m: (m, 0)),
            pl.BlockSpec((DIM, N_CODES), lambda m: (0, 0)),
        ],
        out_specs=pl.BlockSpec((1, 1, BM), lambda m: (m, 0, 0)),
        out_shape=jax.ShapeDtypeStruct((grid, 1, BM), jnp.int32),
    )(flat, et)


def _sc_gather_hist(idx_hbm, table_hbm, q_hbm, cnt_hbm,
                    idx_v, rows_v, ones_v, zero_v, shared, sem):
    cid = lax.axis_index("c")
    sid = lax.axis_index("s")
    w = cid * 16 + sid

    def fill_ones(i, c):
        ones_v[pl.ds(i * 16, 16)] = jnp.ones((16,), jnp.float32)
        return c

    lax.fori_loop(0, 8, fill_ones, 0)

    def fill_zero(i, c):
        zero_v[pl.ds(i * 16, 16)] = jnp.zeros((16,), jnp.float32)
        return c

    lax.fori_loop(0, 32, fill_zero, 0)

    pltpu.sync_copy(idx_hbm.at[pl.ds(w * 2, 2)], idx_v)

    cp0 = pltpu.async_copy(table_hbm.at[idx_v.at[0]], rows_v.at[pl.ds(0, 128)], sem)
    cp1 = pltpu.async_copy(table_hbm.at[idx_v.at[1]], rows_v.at[pl.ds(128, 128)], sem)
    cp0.wait()
    cp1.wait()
    pltpu.sync_copy(rows_v, q_hbm.at[pl.ds(w * 256, 256)])

    pltpu.sync_copy(zero_v, shared.at[pl.ds(sid * 512, 512)])
    plsc.subcore_barrier()
    pltpu.sync_copy(ones_v, shared.at[idx_v.at[0]], add=True)
    pltpu.sync_copy(ones_v, shared.at[idx_v.at[1]], add=True)
    plsc.subcore_barrier()
    pltpu.sync_copy(shared.at[pl.ds(sid * 512, 512)], cnt_hbm.at[cid, sid])


def _sc_call(idx2d, embeddings):
    mesh = plsc.VectorSubcoreMesh(core_axis_name="c", subcore_axis_name="s")
    fn = functools.partial(
        pl.kernel,
        mesh=mesh,
        out_type=[
            jax.ShapeDtypeStruct((N_VECS, DIM), jnp.float32),
            jax.ShapeDtypeStruct((2, 16, 512), jnp.float32),
        ],
        scratch_types=[
            pltpu.VMEM((2, 128), jnp.int32),
            pltpu.VMEM((256, DIM), jnp.float32),
            pltpu.VMEM((128,), jnp.float32),
            pltpu.VMEM((512,), jnp.float32),
            pltpu.VMEM_SHARED((N_CODES,), jnp.float32),
            pltpu.SemaphoreType.DMA,
        ],
        compiler_params=pltpu.CompilerParams(use_tc_tiling_on_sc=False),
    )(_sc_gather_hist)
    return fn(idx2d, embeddings)


def _finalize_body(in_ref, q_ref, c_ref, quant_ref, loss_ref, perp_ref):
    s = jnp.float32(0.0)
    for b in range(8):
        xb = in_ref[b].reshape(DIM, 1024)
        qb = q_ref[pl.ds(b * 1024, 1024), :]
        qbt = qb.T
        quant_ref[b] = qbt.reshape(DIM, 32, 32)
        diff = qbt - xb
        s = s + jnp.sum(diff * diff)
    m = s * (1.0 / (N_VECS * DIM))
    loss_ref[0, 0] = m + COMMIT * m
    c = c_ref[0:1, :] + c_ref[1:2, :]
    p = c * (1.0 / N_VECS)
    ent = jnp.sum(p * jnp.log(p + 1e-10))
    perp_ref[0, 0] = jnp.exp(-ent)


def _finalize_call(inputs, q, counts2):
    return pl.pallas_call(
        _finalize_body,
        out_specs=[
            pl.BlockSpec((8, DIM, 32, 32), lambda: (0, 0, 0, 0)),
            pl.BlockSpec(memory_space=pltpu.SMEM),
            pl.BlockSpec(memory_space=pltpu.SMEM),
        ],
        out_shape=[
            jax.ShapeDtypeStruct((8, DIM, 32, 32), jnp.float32),
            jax.ShapeDtypeStruct((1, 1), jnp.float32),
            jax.ShapeDtypeStruct((1, 1), jnp.float32),
        ],
    )(inputs, q, counts2)


def kernel(inputs, embeddings):
    x = jnp.transpose(inputs, (0, 2, 3, 1))
    flat = x.reshape(N_VECS, DIM)
    et = embeddings.T

    idx3 = _argmin_call(flat, et)
    idx2d = idx3.reshape(64, 128)

    emb_q = embeddings.astype(jnp.bfloat16).astype(jnp.float32)
    q, counts3 = _sc_call(idx2d, emb_q)
    quantized, loss, perp = _finalize_call(inputs, q, counts3.reshape(2, N_CODES))
    return quantized, loss[0, 0], perp[0, 0]

# --- scband reference (transcript-rebuilt; emitter-appended) ---
"""Pipeline reference for scband-vector-quantizer-28114855919967 (READ-ONLY COPY).

The authoritative reference and input builder live on the scoring server;
editing this copy changes nothing except your own understanding.
"""

import jax, jax.numpy as jnp
import numpy as np

NUM_EMBEDDINGS = 8192
EMBEDDING_DIM = 32
COMMITMENT_COST = 0.25


def setup_inputs(seed: int = 0) -> dict:
    key = jax.random.key(seed)
    k1, k2 = jax.random.split(key)
    inputs = jax.random.normal(k1, (8, 32, 32, 32), dtype=jnp.float32)
    embeddings = jax.random.uniform(k2, (NUM_EMBEDDINGS, EMBEDDING_DIM), dtype=jnp.float32, minval=-1.0, maxval=1.0)
    return {"inputs": inputs, "embeddings": embeddings}


def reference(inputs, embeddings):
    # inputs: [B, C, H, W] -> [B, H, W, C]
    x = jnp.transpose(inputs, (0, 2, 3, 1))
    flat = x.reshape(-1, EMBEDDING_DIM)
    # squared euclidean distances (cdist(...)**2)
    distances = (jnp.sum(flat ** 2, axis=1, keepdims=True)
                 - 2.0 * flat @ embeddings.T
                 + jnp.sum(embeddings ** 2, axis=1)[None, :])
    encoding_indices = jnp.argmin(distances, axis=1)
    encodings = jax.nn.one_hot(encoding_indices, NUM_EMBEDDINGS, dtype=jnp.float32)
    quantized = (encodings @ embeddings).reshape(x.shape)
    e_latent_loss = jnp.mean((jax.lax.stop_gradient(quantized) - x) ** 2)
    q_latent_loss = jnp.mean((quantized - jax.lax.stop_gradient(x)) ** 2)
    loss = q_latent_loss + COMMITMENT_COST * e_latent_loss
    quantized = x + jax.lax.stop_gradient(quantized - x)
    avg_probs = jnp.mean(encodings, axis=0)
    perplexity = jnp.exp(-jnp.sum(avg_probs * jnp.log(avg_probs + 1e-10)))
    return (jnp.transpose(quantized, (0, 3, 1, 2)), loss, perplexity)

if __name__ == "__main__":
    import jax
    _d = setup_inputs()
    print(jax.jit(kernel)(*tuple(_d.values())))

</pallas_src>

<mosaic_0001>
#map = affine_map<(d0, d1) -> (0, 0)>
#map1 = affine_map<(d0, d1) -> (0, 0, 0)>
module attributes {stable_mosaic.version = 14 : i64} {
  func.func @_sc_gather_hist(%arg0: i32, %arg1: i32, %arg2: memref<64x128xi32, #tpu.memory_space<hbm>>, %arg3: memref<8192x32xf32, #tpu.memory_space<hbm>>, %arg4: memref<8192x32xf32, #tpu.memory_space<hbm>>, %arg5: memref<2x16x512xf32, #tpu.memory_space<hbm>>, %arg6: memref<2x128xi32, #tpu.memory_space<vmem>>, %arg7: memref<256x32xf32, #tpu.memory_space<vmem>>, %arg8: memref<128xf32, #tpu.memory_space<vmem>>, %arg9: memref<512xf32, #tpu.memory_space<vmem>>, %arg10: memref<8192xf32, #tpu.memory_space<vmem_shared>>, %arg11: memref<!tpu.dma_semaphore, #tpu.memory_space<semaphore_mem>>) attributes {dimension_semantics = [#tpu.dimension_semantics<core_parallel>, #tpu.dimension_semantics<subcore_parallel>], iteration_bounds = array<i64: 2, 16>, scalar_prefetch = 0 : i64, scratch_operands = 6 : i64, tpu.core_type = #tpu.core_type<sc_vector_subcore>, window_params = [{transform_indices = #map}, {transform_indices = #map}, {transform_indices = #map}, {transform_indices = #map1}]} {
    %mul3A = arith.constant 16 : i32
    %mul3A_0 = arith.muli %arg0, %mul3A : i32
    %add3A = arith.addi %mul3A_0, %arg1 : i32
    %scan3A = arith.constant 0 : i32
    %scan3A_1 = arith.constant 0 : i32
    %scan3A_2 = arith.constant 8 : i32
    %scan3A_3 = arith.addi %scan3A_1, %scan3A_2 : i32
    %scan3A_4 = arith.constant 1 : i32
    scf.for %scan3A_60 = %scan3A_1 to %scan3A_3 step %scan3A_4  : i32 {
      %broadcast_in_dim3A = arith.constant 1.000000e+00 : f32
      %broadcast_in_dim3A_61 = vector.broadcast %broadcast_in_dim3A : f32 to vector<16xf32>
      %mul3A_62 = arith.constant 16 : i32
      %mul3A_63 = arith.muli %scan3A_60, %mul3A_62 : i32
      %swap3A = arith.index_cast %mul3A_63 : i32 to index
      %swap3A_64 = tpu.vector_load %arg8[%swap3A] {strides = array<i32>} : memref<128xf32, #tpu.memory_space<vmem>>, vector<16xf32>,
      %swap3A_65 = vector.shape_cast %swap3A_64 : vector<16xf32> to vector<16xf32>
      %swap3A_66 = vector.shape_cast %broadcast_in_dim3A_61 : vector<16xf32> to vector<16xf32>
      tpu.vector_store %arg8[%swap3A], %swap3A_66 {strides = array<i32>} : memref<128xf32, #tpu.memory_space<vmem>>, vector<16xf32>,
    }
    %scan3A_5 = arith.constant 8 : i32
    %scan3A_6 = arith.constant 0 : i32
    %scan3A_7 = arith.constant 0 : i32
    %scan3A_8 = arith.constant 32 : i32
    %scan3A_9 = arith.addi %scan3A_7, %scan3A_8 : i32
    %scan3A_10 = arith.constant 1 : i32
    scf.for %scan3A_60 = %scan3A_7 to %scan3A_9 step %scan3A_10  : i32 {
      %broadcast_in_dim3A = arith.constant 0.000000e+00 : f32
      %broadcast_in_dim3A_61 = vector.broadcast %broadcast_in_dim3A : f32 to vector<16xf32>
      %mul3A_62 = arith.constant 16 : i32
      %mul3A_63 = arith.muli %scan3A_60, %mul3A_62 : i32
      %swap3A = arith.index_cast %mul3A_63 : i32 to index
      %swap3A_64 = tpu.vector_load %arg9[%swap3A] {strides = array<i32>} : memref<512xf32, #tpu.memory_space<vmem>>, vector<16xf32>,
      %swap3A_65 = vector.shape_cast %swap3A_64 : vector<16xf32> to vector<16xf32>
      %swap3A_66 = vector.shape_cast %broadcast_in_dim3A_61 : vector<16xf32> to vector<16xf32>
      tpu.vector_store %arg9[%swap3A], %swap3A_66 {strides = array<i32>} : memref<512xf32, #tpu.memory_space<vmem>>, vector<16xf32>,
    }
    %scan3A_11 = arith.constant 32 : i32
    %mul3A_12 = arith.constant 2 : i32
    %mul3A_13 = arith.muli %add3A, %mul3A_12 : i32
    "tpu.region"() ({
      %run_scoped3A_60 = tpu.sem_alloc : memref<!tpu.dma_semaphore, #tpu.memory_space<semaphore_mem>>
      %dma_start3A_61 = arith.constant 0 : i32
      %dma_start3A_62 = tpu.memref_slice %arg2[%mul3A_13, %dma_start3A_61] : memref<64x128xi32, #tpu.memory_space<hbm>> -> memref<2x128xi32, #tpu.memory_space<hbm>>
      %dma_start3A_63 = arith.constant 0 : i32
      %dma_start3A_64 = tpu.memref_slice %arg2[%mul3A_13, %dma_start3A_63] : memref<64x128xi32, #tpu.memory_space<hbm>> -> memref<2x128xi32, #tpu.memory_space<hbm>>
      tpu.enqueue_dma source(%dma_start3A_64 : memref<2x128xi32, #tpu.memory_space<hbm>>) target(%arg6 : memref<2x128xi32, #tpu.memory_space<vmem>>) target_semaphore(%run_scoped3A_60 : memref<!tpu.dma_semaphore, #tpu.memory_space<semaphore_mem>>)
      %dma_wait3A_65 = arith.constant 0 : i32
      %dma_wait3A_66 = tpu.memref_slice %arg2[%mul3A_13, %dma_wait3A_65] : memref<64x128xi32, #tpu.memory_space<hbm>> -> memref<2x128xi32, #tpu.memory_space<hbm>>
      %dma_wait3A_67 = arith.constant 0 : i32
      %dma_wait3A_68 = tpu.memref_slice %arg2[%mul3A_13, %dma_wait3A_67] : memref<64x128xi32, #tpu.memory_space<hbm>> -> memref<2x128xi32, #tpu.memory_space<hbm>>
      tpu.wait_dma2 semaphore(%run_scoped3A_60 : memref<!tpu.dma_semaphore, #tpu.memory_space<semaphore_mem>>) src(%dma_wait3A_68 : memref<2x128xi32, #tpu.memory_space<hbm>>) dst(%arg6 : memref<2x128xi32, #tpu.memory_space<vmem>>)
      tpu.yield
    }) : () -> ()
    %dma_start3A = arith.constant 0 : i32
    %dma_start3A_14 = arith.constant 0 : i32
    %dma_start3A_15 = arith.constant 0 : i32
    %dma_start3A_16 = tpu.memref_slice %arg7[%dma_start3A_14, %dma_start3A_15] : memref<256x32xf32, #tpu.memory_space<vmem>> -> memref<128x32xf32, #tpu.memory_space<vmem>>
    %dma_start3A_17 = arith.constant 0 : i32
    %dma_start3A_18 = tpu.memref_slice %arg6[%dma_start3A, %dma_start3A_17] : memref<2x128xi32, #tpu.memory_space<vmem>> -> memref<1x128xi32, #tpu.memory_space<vmem>>
    %dma_start3A_19 = tpu.memref_squeeze %dma_start3A_18 : memref<1x128xi32, #tpu.memory_space<vmem>> -> memref<128xi32, #tpu.memory_space<vmem>>
    %dma_start3A_20 = arith.constant 0 : i32
    %dma_start3A_21 = arith.constant 0 : i32
    %dma_start3A_22 = tpu.memref_slice %arg3[%dma_start3A_20, %dma_start3A_21] : memref<8192x32xf32, #tpu.memory_space<hbm>> -> memref<8192x32xf32, #tpu.memory_space<hbm>>
    tpu.enqueue_indirect_dma source(%dma_start3A_22 : memref<8192x32xf32, #tpu.memory_space<hbm>>) target(%dma_start3A_16 : memref<128x32xf32, #tpu.memory_space<vmem>>) offsets(%dma_start3A_19 : memref<128xi32, #tpu.memory_space<vmem>>) semaphore(%arg11 : memref<!tpu.dma_semaphore, #tpu.memory_space<semaphore_mem>>)
    %dma_start3A_23 = arith.constant 1 : i32
    %dma_start3A_24 = arith.constant 128 : i32
    %dma_start3A_25 = arith.constant 0 : i32
    %dma_start3A_26 = tpu.memref_slice %arg7[%dma_start3A_24, %dma_start3A_25] : memref<256x32xf32, #tpu.memory_space<vmem>> -> memref<128x32xf32, #tpu.memory_space<vmem>>
    %dma_start3A_27 = arith.constant 0 : i32
    %dma_start3A_28 = tpu.memref_slice %arg6[%dma_start3A_23, %dma_start3A_27] : memref<2x128xi32, #tpu.memory_space<vmem>> -> memref<1x128xi32, #tpu.memory_space<vmem>>
    %dma_start3A_29 = tpu.memref_squeeze %dma_start3A_28 : memref<1x128xi32, #tpu.memory_space<vmem>> -> memref<128xi32, #tpu.memory_space<vmem>>
    %dma_start3A_30 = arith.constant 0 : i32
    %dma_start3A_31 = arith.constant 0 : i32
    %dma_start3A_32 = tpu.memref_slice %arg3[%dma_start3A_30, %dma_start3A_31] : memref<8192x32xf32, #tpu.memory_space<hbm>> -> memref<8192x32xf32, #tpu.memory_space<hbm>>
    tpu.enqueue_indirect_dma source(%dma_start3A_32 : memref<8192x32xf32, #tpu.memory_space<hbm>>) target(%dma_start3A_26 : memref<128x32xf32, #tpu.memory_space<vmem>>) offsets(%dma_start3A_29 : memref<128xi32, #tpu.memory_space<vmem>>) semaphore(%arg11 : memref<!tpu.dma_semaphore, #tpu.memory_space<semaphore_mem>>)
    %dma_wait3A = arith.constant 0 : i32
    %dma_wait3A_33 = arith.constant 0 : i32
    %dma_wait3A_34 = arith.constant 0 : i32
    %dma_wait3A_35 = tpu.memref_slice %arg7[%dma_wait3A_33, %dma_wait3A_34] : memref<256x32xf32, #tpu.memory_space<vmem>> -> memref<128x32xf32, #tpu.memory_space<vmem>>
    %dma_wait3A_36 = arith.constant 0 : i32
    %dma_wait3A_37 = tpu.memref_slice %arg6[%dma_wait3A, %dma_wait3A_36] : memref<2x128xi32, #tpu.memory_space<vmem>> -> memref<1x128xi32, #tpu.memory_space<vmem>>
    %dma_wait3A_38 = tpu.memref_squeeze %dma_wait3A_37 : memref<1x128xi32, #tpu.memory_space<vmem>> -> memref<128xi32, #tpu.memory_space<vmem>>
    %dma_wait3A_39 = arith.constant 0 : i32
    %dma_wait3A_40 = arith.constant 0 : i32
    %dma_wait3A_41 = tpu.memref_slice %arg3[%dma_wait3A_39, %dma_wait3A_40] : memref<8192x32xf32, #tpu.memory_space<hbm>> -> memref<8192x32xf32, #tpu.memory_space<hbm>>
    tpu.wait_indirect_dma semaphore(%arg11 : memref<!tpu.dma_semaphore, #tpu.memory_space<semaphore_mem>>) src(%dma_wait3A_41 : memref<8192x32xf32, #tpu.memory_space<hbm>>) dst(%dma_wait3A_35 : memref<128x32xf32, #tpu.memory_space<vmem>>)
    %dma_wait3A_42 = arith.constant 1 : i32
    %dma_wait3A_43 = arith.constant 128 : i32
    %dma_wait3A_44 = arith.constant 0 : i32
    %dma_wait3A_45 = tpu.memref_slice %arg7[%dma_wait3A_43, %dma_wait3A_44] : memref<256x32xf32, #tpu.memory_space<vmem>> -> memref<128x32xf32, #tpu.memory_space<vmem>>
    %dma_wait3A_46 = arith.constant 0 : i32
    %dma_wait3A_47 = tpu.memref_slice %arg6[%dma_wait3A_42, %dma_wait3A_46] : memref<2x128xi32, #tpu.memory_space<vmem>> -> memref<1x128xi32, #tpu.memory_space<vmem>>
    %dma_wait3A_48 = tpu.memref_squeeze %dma_wait3A_47 : memref<1x128xi32, #tpu.memory_space<vmem>> -> memref<128xi32, #tpu.memory_space<vmem>>
    %dma_wait3A_49 = arith.constant 0 : i32
    %dma_wait3A_50 = arith.constant 0 : i32
    %dma_wait3A_51 = tpu.memref_slice %arg3[%dma_wait3A_49, %dma_wait3A_50] : memref<8192x32xf32, #tpu.memory_space<hbm>> -> memref<8192x32xf32, #tpu.memory_space<hbm>>
    tpu.wait_indirect_dma semaphore(%arg11 : memref<!tpu.dma_semaphore, #tpu.memory_space<semaphore_mem>>) src(%dma_wait3A_51 : memref<8192x32xf32, #tpu.memory_space<hbm>>) dst(%dma_wait3A_45 : memref<128x32xf32, #tpu.memory_space<vmem>>)
    %mul3A_52 = arith.constant 256 : i32
    %mul3A_53 = arith.muli %add3A, %mul3A_52 : i32
    "tpu.region"() ({
      %run_scoped3A_60 = tpu.sem_alloc : memref<!tpu.dma_semaphore, #tpu.memory_space<semaphore_mem>>
      %dma_start3A_61 = arith.constant 0 : i32
      %dma_start3A_62 = tpu.memref_slice %arg4[%mul3A_53, %dma_start3A_61] : memref<8192x32xf32, #tpu.memory_space<hbm>> -> memref<256x32xf32, #tpu.memory_space<hbm>>
      %dma_start3A_63 = arith.constant 0 : i32
      %dma_start3A_64 = tpu.memref_slice %arg4[%mul3A_53, %dma_start3A_63] : memref<8192x32xf32, #tpu.memory_space<hbm>> -> memref<256x32xf32, #tpu.memory_space<hbm>>
      tpu.enqueue_dma source(%arg7 : memref<256x32xf32, #tpu.memory_space<vmem>>) target(%dma_start3A_64 : memref<256x32xf32, #tpu.memory_space<hbm>>) target_semaphore(%run_scoped3A_60 : memref<!tpu.dma_semaphore, #tpu.memory_space<semaphore_mem>>)
      %dma_wait3A_65 = arith.constant 0 : i32
      %dma_wait3A_66 = tpu.memref_slice %arg4[%mul3A_53, %dma_wait3A_65] : memref<8192x32xf32, #tpu.memory_space<hbm>> -> memref<256x32xf32, #tpu.memory_space<hbm>>
      %dma_wait3A_67 = arith.constant 0 : i32
      %dma_wait3A_68 = tpu.memref_slice %arg4[%mul3A_53, %dma_wait3A_67] : memref<8192x32xf32, #tpu.memory_space<hbm>> -> memref<256x32xf32, #tpu.memory_space<hbm>>
      tpu.wait_dma2 semaphore(%run_scoped3A_60 : memref<!tpu.dma_semaphore, #tpu.memory_space<semaphore_mem>>) src(%arg7 : memref<256x32xf32, #tpu.memory_space<vmem>>) dst(%dma_wait3A_68 : memref<256x32xf32, #tpu.memory_space<hbm>>)
      tpu.yield
    }) : () -> ()
    %mul3A_54 = arith.constant 512 : i32
    %mul3A_55 = arith.muli %arg1, %mul3A_54 : i32
    "tpu.region"() ({
      %run_scoped3A_60 = tpu.sem_alloc : memref<!tpu.dma_semaphore, #tpu.memory_space<semaphore_mem>>
      %dma_start3A_61 = tpu.memref_slice %arg10[%mul3A_55] : memref<8192xf32, #tpu.memory_space<vmem_shared>> -> memref<512xf32, #tpu.memory_space<vmem_shared>>
      %dma_start3A_62 = tpu.memref_slice %arg10[%mul3A_55] : memref<8192xf32, #tpu.memory_space<vmem_shared>> -> memref<512xf32, #tpu.memory_space<vmem_shared>>
      tpu.enqueue_dma source(%arg9 : memref<512xf32, #tpu.memory_space<vmem>>) target(%dma_start3A_62 : memref<512xf32, #tpu.memory_space<vmem_shared>>) target_semaphore(%run_scoped3A_60 : memref<!tpu.dma_semaphore, #tpu.memory_space<semaphore_mem>>)
      %dma_wait3A_63 = tpu.memref_slice %arg10[%mul3A_55] : memref<8192xf32, #tpu.memory_space<vmem_shared>> -> memref<512xf32, #tpu.memory_space<vmem_shared>>
      %dma_wait3A_64 = tpu.memref_slice %arg10[%mul3A_55] : memref<8192xf32, #tpu.memory_space<vmem_shared>> -> memref<512xf32, #tpu.memory_space<vmem_shared>>
      tpu.wait_dma2 semaphore(%run_scoped3A_60 : memref<!tpu.dma_semaphore, #tpu.memory_space<semaphore_mem>>) src(%arg9 : memref<512xf32, #tpu.memory_space<vmem>>) dst(%dma_wait3A_64 : memref<512xf32, #tpu.memory_space<vmem_shared>>)
      tpu.yield
    }) : () -> ()
    %barrier3A = arith.constant 0 : index
    tpu.barrier barrier_id(%barrier3A)
    %run_scoped3A = arith.constant 0 : i32
    "tpu.region"() ({
      %run_scoped3A_60 = tpu.sem_alloc : memref<!tpu.dma_semaphore, #tpu.memory_space<semaphore_mem>>
      %dma_start3A_61 = arith.constant 0 : i32
      %dma_start3A_62 = tpu.memref_slice %arg6[%run_scoped3A, %dma_start3A_61] : memref<2x128xi32, #tpu.memory_space<vmem>> -> memref<1x128xi32, #tpu.memory_space<vmem>>
      %dma_start3A_63 = tpu.memref_squeeze %dma_start3A_62 : memref<1x128xi32, #tpu.memory_space<vmem>> -> memref<128xi32, #tpu.memory_space<vmem>>
      %dma_start3A_64 = arith.constant 0 : i32
      %dma_start3A_65 = tpu.memref_slice %arg10[%dma_start3A_64] : memref<8192xf32, #tpu.memory_space<vmem_shared>> -> memref<8192xf32, #tpu.memory_space<vmem_shared>>
      tpu.enqueue_indirect_dma source(%arg8 : memref<128xf32, #tpu.memory_space<vmem>>) target(%dma_start3A_65 : memref<8192xf32, #tpu.memory_space<vmem_shared>>) offsets(%dma_start3A_63 : memref<128xi32, #tpu.memory_space<vmem>>) semaphore(%run_scoped3A_60 : memref<!tpu.dma_semaphore, #tpu.memory_space<semaphore_mem>>) {add = true}
      %dma_wait3A_66 = arith.constant 0 : i32
      %dma_wait3A_67 = tpu.memref_slice %arg6[%run_scoped3A, %dma_wait3A_66] : memref<2x128xi32, #tpu.memory_space<vmem>> -> memref<1x128xi32, #tpu.memory_space<vmem>>
      %dma_wait3A_68 = tpu.memref_squeeze %dma_wait3A_67 : memref<1x128xi32, #tpu.memory_space<vmem>> -> memref<128xi32, #tpu.memory_space<vmem>>
      %dma_wait3A_69 = arith.constant 0 : i32
      %dma_wait3A_70 = tpu.memref_slice %arg10[%dma_wait3A_69] : memref<8192xf32, #tpu.memory_space<vmem_shared>> -> memref<8192xf32, #tpu.memory_space<vmem_shared>>
      tpu.wait_indirect_dma semaphore(%run_scoped3A_60 : memref<!tpu.dma_semaphore, #tpu.memory_space<semaphore_mem>>) src(%arg8 : memref<128xf32, #tpu.memory_space<vmem>>) dst(%dma_wait3A_70 : memref<8192xf32, #tpu.memory_space<vmem_shared>>)
      tpu.yield
    }) : () -> ()
    %run_scoped3A_56 = arith.constant 1 : i32
    "tpu.region"() ({
      %run_scoped3A_60 = tpu.sem_alloc : memref<!tpu.dma_semaphore, #tpu.memory_space<semaphore_mem>>
      %dma_start3A_61 = arith.constant 0 : i32
      %dma_start3A_62 = tpu.memref_slice %arg6[%run_scoped3A_56, %dma_start3A_61] : memref<2x128xi32, #tpu.memory_space<vmem>> -> memref<1x128xi32, #tpu.memory_space<vmem>>
      %dma_start3A_63 = tpu.memref_squeeze %dma_start3A_62 : memref<1x128xi32, #tpu.memory_space<vmem>> -> memref<128xi32, #tpu.memory_space<vmem>>
      %dma_start3A_64 = arith.constant 0 : i32
      %dma_start3A_65 = tpu.memref_slice %arg10[%dma_start3A_64] : memref<8192xf32, #tpu.memory_space<vmem_shared>> -> memref<8192xf32, #tpu.memory_space<vmem_shared>>
      tpu.enqueue_indirect_dma source(%arg8 : memref<128xf32, #tpu.memory_space<vmem>>) target(%dma_start3A_65 : memref<8192xf32, #tpu.memory_space<vmem_shared>>) offsets(%dma_start3A_63 : memref<128xi32, #tpu.memory_space<vmem>>) semaphore(%run_scoped3A_60 : memref<!tpu.dma_semaphore, #tpu.memory_space<semaphore_mem>>) {add = true}
      %dma_wait3A_66 = arith.constant 0 : i32
      %dma_wait3A_67 = tpu.memref_slice %arg6[%run_scoped3A_56, %dma_wait3A_66] : memref<2x128xi32, #tpu.memory_space<vmem>> -> memref<1x128xi32, #tpu.memory_space<vmem>>
      %dma_wait3A_68 = tpu.memref_squeeze %dma_wait3A_67 : memref<1x128xi32, #tpu.memory_space<vmem>> -> memref<128xi32, #tpu.memory_space<vmem>>
      %dma_wait3A_69 = arith.constant 0 : i32
      %dma_wait3A_70 = tpu.memref_slice %arg10[%dma_wait3A_69] : memref<8192xf32, #tpu.memory_space<vmem_shared>> -> memref<8192xf32, #tpu.memory_space<vmem_shared>>
      tpu.wait_indirect_dma semaphore(%run_scoped3A_60 : memref<!tpu.dma_semaphore, #tpu.memory_space<semaphore_mem>>) src(%arg8 : memref<128xf32, #tpu.memory_space<vmem>>) dst(%dma_wait3A_70 : memref<8192xf32, #tpu.memory_space<vmem_shared>>)
      tpu.yield
    }) : () -> ()
    %barrier3A_57 = arith.constant 0 : index
    tpu.barrier barrier_id(%barrier3A_57)
    %mul3A_58 = arith.constant 512 : i32
    %mul3A_59 = arith.muli %arg1, %mul3A_58 : i32
    "tpu.region"() ({
      %run_scoped3A_60 = tpu.sem_alloc : memref<!tpu.dma_semaphore, #tpu.memory_space<semaphore_mem>>
      %dma_start3A_61 = arith.constant 0 : i32
      %dma_start3A_62 = tpu.memref_slice %arg5[%arg0, %arg1, %dma_start3A_61] : memref<2x16x512xf32, #tpu.memory_space<hbm>> -> memref<1x1x512xf32, #tpu.memory_space<hbm>>
      %dma_start3A_63 = tpu.memref_squeeze %dma_start3A_62 : memref<1x1x512xf32, #tpu.memory_space<hbm>> -> memref<512xf32, #tpu.memory_space<hbm>>
      %dma_start3A_64 = tpu.memref_slice %arg10[%mul3A_59] : memref<8192xf32, #tpu.memory_space<vmem_shared>> -> memref<512xf32, #tpu.memory_space<vmem_shared>>
      tpu.enqueue_dma source(%dma_start3A_64 : memref<512xf32, #tpu.memory_space<vmem_shared>>) target(%dma_start3A_63 : memref<512xf32, #tpu.memory_space<hbm>>) target_semaphore(%run_scoped3A_60 : memref<!tpu.dma_semaphore, #tpu.memory_space<semaphore_mem>>)
      %dma_wait3A_65 = arith.constant 0 : i32
      %dma_wait3A_66 = tpu.memref_slice %arg5[%arg0, %arg1, %dma_wait3A_65] : memref<2x16x512xf32, #tpu.memory_space<hbm>> -> memref<1x1x512xf32, #tpu.memory_space<hbm>>
      %dma_wait3A_67 = tpu.memref_squeeze %dma_wait3A_66 : memref<1x1x512xf32, #tpu.memory_space<hbm>> -> memref<512xf32, #tpu.memory_space<hbm>>
      %dma_wait3A_68 = tpu.memref_slice %arg10[%mul3A_59] : memref<8192xf32, #tpu.memory_space<vmem_shared>> -> memref<512xf32, #tpu.memory_space<vmem_shared>>
      tpu.wait_dma2 semaphore(%run_scoped3A_60 : memref<!tpu.dma_semaphore, #tpu.memory_space<semaphore_mem>>) src(%dma_wait3A_68 : memref<512xf32, #tpu.memory_space<vmem_shared>>) dst(%dma_wait3A_67 : memref<512xf32, #tpu.memory_space<hbm>>)
      tpu.yield
    }) : () -> ()
    return
  }
}

module attributes {stable_mosaic.version = 14 : i64} {
  func.func @_argmin_body(%arg0: i32, %arg1: memref<512x32xf32, #tpu.memory_space<vmem>>, %arg2: memref<32x8192xf32, #tpu.memory_space<vmem>>, %arg3: memref<1x1x512xi32, #tpu.memory_space<vmem>>) attributes {dimension_semantics = [#tpu.dimension_semantics<arbitrary>], iteration_bounds = array<i64: 16>, scalar_prefetch = 0 : i64, scratch_operands = 0 : i64, tpu.core_type = #tpu.core_type<tc>, window_params = [{transform_indices = @transform_0, window_bounds = array<i64: 512, 32>}, {pipeline_mode = #tpu.pipeline_mode<synchronous>, transform_indices = @transform_1, window_bounds = array<i64: 32, 8192>}, {transform_indices = @transform_2, window_bounds = array<i64: 1, 1, 512>}]} {
    %get3A = arith.constant 0 : index
    %get3A_0 = arith.constant 0 : index
    %get3A_1 = vector.load %arg1[%get3A, %get3A_0] : memref<512x32xf32, #tpu.memory_space<vmem>>, vector<512x32xf32>
    %get3A_2 = arith.constant 0 : index
    %get3A_3 = arith.constant 0 : index
    %get3A_4 = vector.load %arg2[%get3A_2, %get3A_3] : memref<32x8192xf32, #tpu.memory_space<vmem>>, vector<32x8192xf32>
    %mul3A = arith.constant -2.000000e+00 : f32
    %mul3A_5 = vector.broadcast %mul3A : f32 to vector<512x32xf32>
    %mul3A_6 = arith.mulf %mul3A_5, %get3A_1 : vector<512x32xf32>
    %convert_element_type3A = arith.truncf %mul3A_6 : vector<512x32xf32> to vector<512x32xbf16>
    %convert_element_type3A_7 = arith.truncf %get3A_4 : vector<32x8192xf32> to vector<32x8192xbf16>
    %dot_general3A = arith.constant dense<0.000000e+00> : vector<512x8192xf32>
    %dot_general3A_8 = tpu.matmul %convert_element_type3A, %convert_element_type3A_7, %dot_general3A {dimension_numbers = #tpu.dot_dimension_numbers<[1], [0], [0], [1], [0, 0, 1, 1], [], []>, transpose_lhs_hint = false} : vector<512x32xbf16>, vector<32x8192xbf16>, vector<512x8192xf32> -> vector<512x8192xf32>
    %mul3A_9 = arith.mulf %get3A_1, %get3A_1 : vector<512x32xf32>
    %reduce_sum3A = arith.constant dense<0.000000e+00> : vector<512xf32>
    %reduce_sum3A_10 = vector.multi_reduction <add>, %mul3A_9, %reduce_sum3A [1] : vector<512x32xf32> to vector<512xf32>
    %broadcast_in_dim3A = vector.shape_cast %reduce_sum3A_10 : vector<512xf32> to vector<512x1xf32>
    %mul3A_11 = arith.mulf %get3A_4, %get3A_4 : vector<32x8192xf32>
    %reduce_sum3A_12 = arith.constant dense<0.000000e+00> : vector<8192xf32>
    %reduce_sum3A_13 = vector.multi_reduction <add>, %mul3A_11, %reduce_sum3A_12 [0] : vector<32x8192xf32> to vector<8192xf32>
    %broadcast_in_dim3A_14 = vector.shape_cast %reduce_sum3A_13 : vector<8192xf32> to vector<1x8192xf32>
    %add3A = vector.broadcast %broadcast_in_dim3A : vector<512x1xf32> to vector<512x8192xf32>
    %add3A_15 = arith.addf %add3A, %dot_general3A_8 : vector<512x8192xf32>
    %add3A_16 = vector.broadcast %broadcast_in_dim3A_14 : vector<1x8192xf32> to vector<512x8192xf32>
    %add3A_17 = arith.addf %add3A_15, %add3A_16 : vector<512x8192xf32>
    %iota3A = tpu.iota {dimensions = array<i32: 1>} : vector<1x8192xi32>
    %convert_element_type3A_18 = arith.sitofp %iota3A : vector<1x8192xi32> to vector<1x8192xf32>
    %broadcast_in_dim3A_19 = arith.constant 0x7F800000 : f32
    %broadcast_in_dim3A_20 = vector.broadcast %broadcast_in_dim3A_19 : f32 to vector<512x1xf32>
    %broadcast_in_dim3A_21 = arith.constant 0.000000e+00 : f32
    %broadcast_in_dim3A_22 = vector.broadcast %broadcast_in_dim3A_21 : f32 to vector<512x1xf32>
    %slice3A = vector.extract_strided_slice %add3A_17 {offsets = [0, 0], sizes = [512, 2048], strides = [1, 1]} : vector<512x8192xf32> to vector<512x2048xf32>
    %reduce_min3A = arith.constant dense<0x7F800000> : vector<512xf32>
    %reduce_min3A_23 = vector.multi_reduction <minimumf>, %slice3A, %reduce_min3A [1] : vector<512x2048xf32> to vector<512xf32>
    %broadcast_in_dim3A_24 = vector.shape_cast %reduce_min3A_23 : vector<512xf32> to vector<512x1xf32>
    %eq3A = vector.broadcast %broadcast_in_dim3A_24 : vector<512x1xf32> to vector<512x2048xf32>
    %eq3A_25 = arith.cmpf oeq, %slice3A, %eq3A : vector<512x2048xf32>
    %slice3A_26 = vector.extract_strided_slice %convert_element_type3A_18 {offsets = [0, 0], sizes = [1, 2048], strides = [1, 1]} : vector<1x8192xf32> to vector<1x2048xf32>
    %jit3A = arith.constant 1.07374182E+9 : f32
    %broadcast_in_dim3A_27 = vector.shape_cast %slice3A_26 : vector<1x2048xf32> to vector<1x2048xf32>
    %broadcast_in_dim3A_28 = vector.broadcast %broadcast_in_dim3A_27 : vector<1x2048xf32> to vector<512x2048xf32>
    %broadcast_in_dim3A_29 = vector.broadcast %jit3A : f32 to vector<512x2048xf32>
    %select_n3A = arith.select %eq3A_25, %broadcast_in_dim3A_28, %broadcast_in_dim3A_29 : vector<512x2048xi1>, vector<512x2048xf32>
    %reduce_min3A_30 = arith.constant dense<0x7F800000> : vector<512xf32>
    %reduce_min3A_31 = vector.multi_reduction <minimumf>, %select_n3A, %reduce_min3A_30 [1] : vector<512x2048xf32> to vector<512xf32>
    %broadcast_in_dim3A_32 = vector.shape_cast %reduce_min3A_31 : vector<512xf32> to vector<512x1xf32>
    %lt3A = arith.cmpf olt, %broadcast_in_dim3A_24, %broadcast_in_dim3A_20 : vector<512x1xf32>
    %select_n3A_33 = arith.select %lt3A, %broadcast_in_dim3A_32, %broadcast_in_dim3A_22 : vector<512x1xi1>, vector<512x1xf32>
    %select_n3A_34 = arith.select %lt3A, %broadcast_in_dim3A_24, %broadcast_in_dim3A_20 : vector<512x1xi1>, vector<512x1xf32>
    %convert_element_type3A_35 = arith.truncf %select_n3A_34 : vector<512x1xf32> to vector<512x1xbf16>
    %convert_element_type3A_36 = arith.extf %convert_element_type3A_35 : vector<512x1xbf16> to vector<512x1xf32>
    %slice3A_37 = vector.extract_strided_slice %add3A_17 {offsets = [0, 2048], sizes = [512, 2048], strides = [1, 1]} : vector<512x8192xf32> to vector<512x2048xf32>
    %reduce_min3A_38 = arith.constant dense<0x7F800000> : vector<512xf32>
    %reduce_min3A_39 = vector.multi_reduction <minimumf>, %slice3A_37, %reduce_min3A_38 [1] : vector<512x2048xf32> to vector<512xf32>
    %broadcast_in_dim3A_40 = vector.shape_cast %reduce_min3A_39 : vector<512xf32> to vector<512x1xf32>
    %eq3A_41 = vector.broadcast %broadcast_in_dim3A_40 : vector<512x1xf32> to vector<512x2048xf32>
    %eq3A_42 = arith.cmpf oeq, %slice3A_37, %eq3A_41 : vector<512x2048xf32>
    %slice3A_43 = vector.extract_strided_slice %convert_element_type3A_18 {offsets = [0, 2048], sizes = [1, 2048], strides = [1, 1]} : vector<1x8192xf32> to vector<1x2048xf32>
    %jit3A_44 = arith.constant 1.07374182E+9 : f32
    %broadcast_in_dim3A_45 = vector.shape_cast %slice3A_43 : vector<1x2048xf32> to vector<1x2048xf32>
    %broadcast_in_dim3A_46 = vector.broadcast %broadcast_in_dim3A_45 : vector<1x2048xf32> to vector<512x2048xf32>
    %broadcast_in_dim3A_47 = vector.broadcast %jit3A_44 : f32 to vector<512x2048xf32>
    %select_n3A_48 = arith.select %eq3A_42, %broadcast_in_dim3A_46, %broadcast_in_dim3A_47 : vector<512x2048xi1>, vector<512x2048xf32>
    %reduce_min3A_49 = arith.constant dense<0x7F800000> : vector<512xf32>
    %reduce_min3A_50 = vector.multi_reduction <minimumf>, %select_n3A_48, %reduce_min3A_49 [1] : vector<512x2048xf32> to vector<512xf32>
    %broadcast_in_dim3A_51 = vector.shape_cast %reduce_min3A_50 : vector<512xf32> to vector<512x1xf32>
    %lt3A_52 = arith.cmpf olt, %broadcast_in_dim3A_40, %convert_element_type3A_36 : vector<512x1xf32>
    %select_n3A_53 = arith.select %lt3A_52, %broadcast_in_dim3A_51, %select_n3A_33 : vector<512x1xi1>, vector<512x1xf32>
    %select_n3A_54 = arith.select %lt3A_52, %broadcast_in_dim3A_40, %convert_element_type3A_36 : vector<512x1xi1>, vector<512x1xf32>
    %convert_element_type3A_55 = arith.truncf %select_n3A_54 : vector<512x1xf32> to vector<512x1xbf16>
    %convert_element_type3A_56 = arith.extf %convert_element_type3A_55 : vector<512x1xbf16> to vector<512x1xf32>
    %slice3A_57 = vector.extract_strided_slice %add3A_17 {offsets = [0, 4096], sizes = [512, 2048], strides = [1, 1]} : vector<512x8192xf32> to vector<512x2048xf32>
    %reduce_min3A_58 = arith.constant dense<0x7F800000> : vector<512xf32>
    %reduce_min3A_59 = vector.multi_reduction <minimumf>, %slice3A_57, %reduce_min3A_58 [1] : vector<512x2048xf32> to vector<512xf32>
    %broadcast_in_dim3A_60 = vector.shape_cast %reduce_min3A_59 : vector<512xf32> to vector<512x1xf32>
    %eq3A_61 = vector.broadcast %broadcast_in_dim3A_60 : vector<512x1xf32> to vector<512x2048xf32>
    %eq3A_62 = arith.cmpf oeq, %slice3A_57, %eq3A_61 : vector<512x2048xf32>
    %slice3A_63 = vector.extract_strided_slice %convert_element_type3A_18 {offsets = [0, 4096], sizes = [1, 2048], strides = [1, 1]} : vector<1x8192xf32> to vector<1x2048xf32>
    %jit3A_64 = arith.constant 1.07374182E+9 : f32
    %broadcast_in_dim3A_65 = vector.shape_cast %slice3A_63 : vector<1x2048xf32> to vector<1x2048xf32>
    %broadcast_in_dim3A_66 = vector.broadcast %broadcast_in_dim3A_65 : vector<1x2048xf32> to vector<512x2048xf32>
    %broadcast_in_dim3A_67 = vector.broadcast %jit3A_64 : f32 to vector<512x2048xf32>
    %select_n3A_68 = arith.select %eq3A_62, %broadcast_in_dim3A_66, %broadcast_in_dim3A_67 : vector<512x2048xi1>, vector<512x2048xf32>
    %reduce_min3A_69 = arith.constant dense<0x7F800000> : vector<512xf32>
    %reduce_min3A_70 = vector.multi_reduction <minimumf>, %select_n3A_68, %reduce_min3A_69 [1] : vector<512x2048xf32> to vector<512xf32>
    %broadcast_in_dim3A_71 = vector.shape_cast %reduce_min3A_70 : vector<512xf32> to vector<512x1xf32>
    %lt3A_72 = arith.cmpf olt, %broadcast_in_dim3A_60, %convert_element_type3A_56 : vector<512x1xf32>
    %select_n3A_73 = arith.select %lt3A_72, %broadcast_in_dim3A_71, %select_n3A_53 : vector<512x1xi1>, vector<512x1xf32>
    %select_n3A_74 = arith.select %lt3A_72, %broadcast_in_dim3A_60, %convert_element_type3A_56 : vector<512x1xi1>, vector<512x1xf32>
    %convert_element_type3A_75 = arith.truncf %select_n3A_74 : vector<512x1xf32> to vector<512x1xbf16>
    %convert_element_type3A_76 = arith.extf %convert_element_type3A_75 : vector<512x1xbf16> to vector<512x1xf32>
    %slice3A_77 = vector.extract_strided_slice %add3A_17 {offsets = [0, 6144], sizes = [512, 2048], strides = [1, 1]} : vector<512x8192xf32> to vector<512x2048xf32>
    %reduce_min3A_78 = arith.constant dense<0x7F800000> : vector<512xf32>
    %reduce_min3A_79 = vector.multi_reduction <minimumf>, %slice3A_77, %reduce_min3A_78 [1] : vector<512x2048xf32> to vector<512xf32>
    %broadcast_in_dim3A_80 = vector.shape_cast %reduce_min3A_79 : vector<512xf32> to vector<512x1xf32>
    %eq3A_81 = vector.broadcast %broadcast_in_dim3A_80 : vector<512x1xf32> to vector<512x2048xf32>
    %eq3A_82 = arith.cmpf oeq, %slice3A_77, %eq3A_81 : vector<512x2048xf32>
    %slice3A_83 = vector.extract_strided_slice %convert_element_type3A_18 {offsets = [0, 6144], sizes = [1, 2048], strides = [1, 1]} : vector<1x8192xf32> to vector<1x2048xf32>
    %jit3A_84 = arith.constant 1.07374182E+9 : f32
    %broadcast_in_dim3A_85 = vector.shape_cast %slice3A_83 : vector<1x2048xf32> to vector<1x2048xf32>
    %broadcast_in_dim3A_86 = vector.broadcast %broadcast_in_dim3A_85 : vector<1x2048xf32> to vector<512x2048xf32>
    %broadcast_in_dim3A_87 = vector.broadcast %jit3A_84 : f32 to vector<512x2048xf32>
    %select_n3A_88 = arith.select %eq3A_82, %broadcast_in_dim3A_86, %broadcast_in_dim3A_87 : vector<512x2048xi1>, vector<512x2048xf32>
    %reduce_min3A_89 = arith.constant dense<0x7F800000> : vector<512xf32>
    %reduce_min3A_90 = vector.multi_reduction <minimumf>, %select_n3A_88, %reduce_min3A_89 [1] : vector<512x2048xf32> to vector<512xf32>
    %broadcast_in_dim3A_91 = vector.shape_cast %reduce_min3A_90 : vector<512xf32> to vector<512x1xf32>
    %lt3A_92 = arith.cmpf olt, %broadcast_in_dim3A_80, %convert_element_type3A_76 : vector<512x1xf32>
    %select_n3A_93 = arith.select %lt3A_92, %broadcast_in_dim3A_91, %select_n3A_73 : vector<512x1xi1>, vector<512x1xf32>
    %squeeze3A = vector.shape_cast %select_n3A_93 : vector<512x1xf32> to vector<512xf32>
    %convert_element_type3A_94 = arith.fptosi %squeeze3A : vector<512xf32> to vector<512xi32>
    %swap3A = arith.constant 0 : index
    %swap3A_95 = arith.constant 0 : index
    %swap3A_96 = arith.constant 0 : index
    %swap3A_97 = vector.load %arg3[%swap3A, %swap3A_95, %swap3A_96] : memref<1x1x512xi32, #tpu.memory_space<vmem>>, vector<1x1x512xi32>
    %swap3A_98 = vector.shape_cast %swap3A_97 : vector<1x1x512xi32> to vector<512xi32>
    %swap3A_99 = vector.shape_cast %convert_element_type3A_94 : vector<512xi32> to vector<1x1x512xi32>
    tpu.vector_store %arg3[%swap3A, %swap3A_95, %swap3A_96], %swap3A_99 {strides = array<i32>} : memref<1x1x512xi32, #tpu.memory_space<vmem>>, vector<1x1x512xi32>,
    return
  }
  func.func @transform_0(%arg0: i32) -> (i32, i32) {
    %c0_i32 = arith.constant 0 : i32
    %c0_i32_0 = arith.constant 0 : i32
    return %arg0, %c0_i32 : i32, i32
  }
  func.func @transform_1(%arg0: i32) -> (i32, i32) {
    %c0_i32 = arith.constant 0 : i32
    %c0_i32_0 = arith.constant 0 : i32
    %c0_i32_1 = arith.constant 0 : i32
    return %c0_i32, %c0_i32_0 : i32, i32
  }
  func.func @transform_2(%arg0: i32) -> (i32, i32, i32) {
    %c0_i32 = arith.constant 0 : i32
    %c0_i32_0 = arith.constant 0 : i32
    %c0_i32_1 = arith.constant 0 : i32
    return %arg0, %c0_i32, %c0_i32_0 : i32, i32, i32
  }
}

module attributes {stable_mosaic.version = 14 : i64} {
  func.func @_finalize_body(%arg0: memref<8x32x32x32xf32, #tpu.memory_space<vmem>>, %arg1: memref<8192x32xf32, #tpu.memory_space<vmem>>, %arg2: memref<2x8192xf32, #tpu.memory_space<vmem>>, %arg3: memref<8x32x32x32xf32, #tpu.memory_space<vmem>>, %arg4: memref<1x1xf32, #tpu.memory_space<smem>>, %arg5: memref<1x1xf32, #tpu.memory_space<smem>>) attributes {dimension_semantics = [], scalar_prefetch = 0 : i64, scratch_operands = 0 : i64, tpu.core_type = #tpu.core_type<tc>} {
    %get3A = arith.constant 0 : index
    %get3A_0 = arith.constant 0 : index
    %get3A_1 = arith.constant 0 : index
    %get3A_2 = arith.constant 0 : index
    %get3A_3 = vector.load %arg0[%get3A, %get3A_0, %get3A_1, %get3A_2] : memref<8x32x32x32xf32, #tpu.memory_space<vmem>>, vector<1x32x32x32xf32>
    %get3A_4 = vector.shape_cast %get3A_3 : vector<1x32x32x32xf32> to vector<32x32x32xf32>
    %reshape3A = vector.shape_cast %get3A_4 : vector<32x32x32xf32> to vector<32x1024xf32>
    %get3A_5 = arith.constant 0 : index
    %get3A_6 = arith.constant 0 : index
    %get3A_7 = vector.load %arg1[%get3A_5, %get3A_6] : memref<8192x32xf32, #tpu.memory_space<vmem>>, vector<1024x32xf32>
    %transpose3A = tpu.transpose %get3A_7, [1, 0] : vector<1024x32xf32> -> vector<32x1024xf32>
    %reshape3A_8 = vector.shape_cast %transpose3A : vector<32x1024xf32> to vector<32x32x32xf32>
    %swap3A = arith.constant 0 : index
    %swap3A_9 = arith.constant 0 : index
    %swap3A_10 = arith.constant 0 : index
    %swap3A_11 = arith.constant 0 : index
    %swap3A_12 = vector.load %arg3[%swap3A, %swap3A_9, %swap3A_10, %swap3A_11] : memref<8x32x32x32xf32, #tpu.memory_space<vmem>>, vector<1x32x32x32xf32>
    %swap3A_13 = vector.shape_cast %swap3A_12 : vector<1x32x32x32xf32> to vector<32x32x32xf32>
    %swap3A_14 = vector.shape_cast %reshape3A_8 : vector<32x32x32xf32> to vector<1x32x32x32xf32>
    tpu.vector_store %arg3[%swap3A, %swap3A_9, %swap3A_10, %swap3A_11], %swap3A_14 {strides = array<i32>} : memref<8x32x32x32xf32, #tpu.memory_space<vmem>>, vector<1x32x32x32xf32>,
    %sub3A = arith.subf %transpose3A, %reshape3A : vector<32x1024xf32>
    %mul3A = arith.mulf %sub3A, %sub3A : vector<32x1024xf32>
    %reduce_sum3A = vector.shape_cast %mul3A : vector<32x1024xf32> to vector<1x32x1024xf32>
    %reduce_sum3A_15 = arith.constant dense<0.000000e+00> : vector<1xf32>
    %reduce_sum3A_16 = vector.multi_reduction <add>, %reduce_sum3A, %reduce_sum3A_15 [1, 2] : vector<1x32x1024xf32> to vector<1xf32>
    %reduce_sum3A_17 = vector.shape_cast %reduce_sum3A_16 : vector<1xf32> to vector<1x1x1xf32>
    %reduce_sum3A_18 = vector.extract %reduce_sum3A_17[0, 0, 0] : f32 from vector<1x1x1xf32>
    %add3A = arith.constant 0.000000e+00 : f32
    %add3A_19 = arith.addf %add3A, %reduce_sum3A_18 : f32
    %get3A_20 = arith.constant 1 : index
    %get3A_21 = arith.constant 0 : index
    %get3A_22 = arith.constant 0 : index
    %get3A_23 = arith.constant 0 : index
    %get3A_24 = vector.load %arg0[%get3A_20, %get3A_21, %get3A_22, %get3A_23] : memref<8x32x32x32xf32, #tpu.memory_space<vmem>>, vector<1x32x32x32xf32>
    %get3A_25 = vector.shape_cast %get3A_24 : vector<1x32x32x32xf32> to vector<32x32x32xf32>
    %reshape3A_26 = vector.shape_cast %get3A_25 : vector<32x32x32xf32> to vector<32x1024xf32>
    %get3A_27 = arith.constant 1024 : index
    %get3A_28 = arith.constant 0 : index
    %get3A_29 = vector.load %arg1[%get3A_27, %get3A_28] : memref<8192x32xf32, #tpu.memory_space<vmem>>, vector<1024x32xf32>
    %transpose3A_30 = tpu.transpose %get3A_29, [1, 0] : vector<1024x32xf32> -> vector<32x1024xf32>
    %reshape3A_31 = vector.shape_cast %transpose3A_30 : vector<32x1024xf32> to vector<32x32x32xf32>
    %swap3A_32 = arith.constant 1 : index
    %swap3A_33 = arith.constant 0 : index
    %swap3A_34 = arith.constant 0 : index
    %swap3A_35 = arith.constant 0 : index
    %swap3A_36 = vector.load %arg3[%swap3A_32, %swap3A_33, %swap3A_34, %swap3A_35] : memref<8x32x32x32xf32, #tpu.memory_space<vmem>>, vector<1x32x32x32xf32>
    %swap3A_37 = vector.shape_cast %swap3A_36 : vector<1x32x32x32xf32> to vector<32x32x32xf32>
    %swap3A_38 = vector.shape_cast %reshape3A_31 : vector<32x32x32xf32> to vector<1x32x32x32xf32>
    tpu.vector_store %arg3[%swap3A_32, %swap3A_33, %swap3A_34, %swap3A_35], %swap3A_38 {strides = array<i32>} : memref<8x32x32x32xf32, #tpu.memory_space<vmem>>, vector<1x32x32x32xf32>,
    %sub3A_39 = arith.subf %transpose3A_30, %reshape3A_26 : vector<32x1024xf32>
    %mul3A_40 = arith.mulf %sub3A_39, %sub3A_39 : vector<32x1024xf32>
    %reduce_sum3A_41 = vector.shape_cast %mul3A_40 : vector<32x1024xf32> to vector<1x32x1024xf32>
    %reduce_sum3A_42 = arith.constant dense<0.000000e+00> : vector<1xf32>
    %reduce_sum3A_43 = vector.multi_reduction <add>, %reduce_sum3A_41, %reduce_sum3A_42 [1, 2] : vector<1x32x1024xf32> to vector<1xf32>
    %reduce_sum3A_44 = vector.shape_cast %reduce_sum3A_43 : vector<1xf32> to vector<1x1x1xf32>
    %reduce_sum3A_45 = vector.extract %reduce_sum3A_44[0, 0, 0] : f32 from vector<1x1x1xf32>
    %add3A_46 = arith.addf %add3A_19, %reduce_sum3A_45 : f32
    %get3A_47 = arith.constant 2 : index
    %get3A_48 = arith.constant 0 : index
    %get3A_49 = arith.constant 0 : index
    %get3A_50 = arith.constant 0 : index
    %get3A_51 = vector.load %arg0[%get3A_47, %get3A_48, %get3A_49, %get3A_50] : memref<8x32x32x32xf32, #tpu.memory_space<vmem>>, vector<1x32x32x32xf32>
    %get3A_52 = vector.shape_cast %get3A_51 : vector<1x32x32x32xf32> to vector<32x32x32xf32>
    %reshape3A_53 = vector.shape_cast %get3A_52 : vector<32x32x32xf32> to vector<32x1024xf32>
    %get3A_54 = arith.constant 2048 : index
    %get3A_55 = arith.constant 0 : index
    %get3A_56 = vector.load %arg1[%get3A_54, %get3A_55] : memref<8192x32xf32, #tpu.memory_space<vmem>>, vector<1024x32xf32>
    %transpose3A_57 = tpu.transpose %get3A_56, [1, 0] : vector<1024x32xf32> -> vector<32x1024xf32>
    %reshape3A_58 = vector.shape_cast %transpose3A_57 : vector<32x1024xf32> to vector<32x32x32xf32>
    %swap3A_59 = arith.constant 2 : index
    %swap3A_60 = arith.constant 0 : index
    %swap3A_61 = arith.constant 0 : index
    %swap3A_62 = arith.constant 0 : index
    %swap3A_63 = vector.load %arg3[%swap3A_59, %swap3A_60, %swap3A_61, %swap3A_62] : memref<8x32x32x32xf32, #tpu.memory_space<vmem>>, vector<1x32x32x32xf32>
    %swap3A_64 = vector.shape_cast %swap3A_63 : vector<1x32x32x32xf32> to vector<32x32x32xf32>
    %swap3A_65 = vector.shape_cast %reshape3A_58 : vector<32x32x32xf32> to vector<1x32x32x32xf32>
    tpu.vector_store %arg3[%swap3A_59, %swap3A_60, %swap3A_61, %swap3A_62], %swap3A_65 {strides = array<i32>} : memref<8x32x32x32xf32, #tpu.memory_space<vmem>>, vector<1x32x32x32xf32>,
    %sub3A_66 = arith.subf %transpose3A_57, %reshape3A_53 : vector<32x1024xf32>
    %mul3A_67 = arith.mulf %sub3A_66, %sub3A_66 : vector<32x1024xf32>
    %reduce_sum3A_68 = vector.shape_cast %mul3A_67 : vector<32x1024xf32> to vector<1x32x1024xf32>
    %reduce_sum3A_69 = arith.constant dense<0.000000e+00> : vector<1xf32>
    %reduce_sum3A_70 = vector.multi_reduction <add>, %reduce_sum3A_68, %reduce_sum3A_69 [1, 2] : vector<1x32x1024xf32> to vector<1xf32>
    %reduce_sum3A_71 = vector.shape_cast %reduce_sum3A_70 : vector<1xf32> to vector<1x1x1xf32>
    %reduce_sum3A_72 = vector.extract %reduce_sum3A_71[0, 0, 0] : f32 from vector<1x1x1xf32>
    %add3A_73 = arith.addf %add3A_46, %reduce_sum3A_72 : f32
    %get3A_74 = arith.constant 3 : index
    %get3A_75 = arith.constant 0 : index
    %get3A_76 = arith.constant 0 : index
    %get3A_77 = arith.constant 0 : index
    %get3A_78 = vector.load %arg0[%get3A_74, %get3A_75, %get3A_76, %get3A_77] : memref<8x32x32x32xf32, #tpu.memory_space<vmem>>, vector<1x32x32x32xf32>
    %get3A_79 = vector.shape_cast %get3A_78 : vector<1x32x32x32xf32> to vector<32x32x32xf32>
    %reshape3A_80 = vector.shape_cast %get3A_79 : vector<32x32x32xf32> to vector<32x1024xf32>
    %get3A_81 = arith.constant 3072 : index
    %get3A_82 = arith.constant 0 : index
    %get3A_83 = vector.load %arg1[%get3A_81, %get3A_82] : memref<8192x32xf32, #tpu.memory_space<vmem>>, vector<1024x32xf32>
    %transpose3A_84 = tpu.transpose %get3A_83, [1, 0] : vector<1024x32xf32> -> vector<32x1024xf32>
    %reshape3A_85 = vector.shape_cast %transpose3A_84 : vector<32x1024xf32> to vector<32x32x32xf32>
    %swap3A_86 = arith.constant 3 : index
    %swap3A_87 = arith.constant 0 : index
    %swap3A_88 = arith.constant 0 : index
    %swap3A_89 = arith.constant 0 : index
    %swap3A_90 = vector.load %arg3[%swap3A_86, %swap3A_87, %swap3A_88, %swap3A_89] : memref<8x32x32x32xf32, #tpu.memory_space<vmem>>, vector<1x32x32x32xf32>
    %swap3A_91 = vector.shape_cast %swap3A_90 : vector<1x32x32x32xf32> to vector<32x32x32xf32>
    %swap3A_92 = vector.shape_cast %reshape3A_85 : vector<32x32x32xf32> to vector<1x32x32x32xf32>
    tpu.vector_store %arg3[%swap3A_86, %swap3A_87, %swap3A_88, %swap3A_89], %swap3A_92 {strides = array<i32>} : memref<8x32x32x32xf32, #tpu.memory_space<vmem>>, vector<1x32x32x32xf32>,
    %sub3A_93 = arith.subf %transpose3A_84, %reshape3A_80 : vector<32x1024xf32>
    %mul3A_94 = arith.mulf %sub3A_93, %sub3A_93 : vector<32x1024xf32>
    %reduce_sum3A_95 = vector.shape_cast %mul3A_94 : vector<32x1024xf32> to vector<1x32x1024xf32>
    %reduce_sum3A_96 = arith.constant dense<0.000000e+00> : vector<1xf32>
    %reduce_sum3A_97 = vector.multi_reduction <add>, %reduce_sum3A_95, %reduce_sum3A_96 [1, 2] : vector<1x32x1024xf32> to vector<1xf32>
    %reduce_sum3A_98 = vector.shape_cast %reduce_sum3A_97 : vector<1xf32> to vector<1x1x1xf32>
    %reduce_sum3A_99 = vector.extract %reduce_sum3A_98[0, 0, 0] : f32 from vector<1x1x1xf32>
    %add3A_100 = arith.addf %add3A_73, %reduce_sum3A_99 : f32
    %get3A_101 = arith.constant 4 : index
    %get3A_102 = arith.constant 0 : index
    %get3A_103 = arith.constant 0 : index
    %get3A_104 = arith.constant 0 : index
    %get3A_105 = vector.load %arg0[%get3A_101, %get3A_102, %get3A_103, %get3A_104] : memref<8x32x32x32xf32, #tpu.memory_space<vmem>>, vector<1x32x32x32xf32>
    %get3A_106 = vector.shape_cast %get3A_105 : vector<1x32x32x32xf32> to vector<32x32x32xf32>
    %reshape3A_107 = vector.shape_cast %get3A_106 : vector<32x32x32xf32> to vector<32x1024xf32>
    %get3A_108 = arith.constant 4096 : index
    %get3A_109 = arith.constant 0 : index
    %get3A_110 = vector.load %arg1[%get3A_108, %get3A_109] : memref<8192x32xf32, #tpu.memory_space<vmem>>, vector<1024x32xf32>
    %transpose3A_111 = tpu.transpose %get3A_110, [1, 0] : vector<1024x32xf32> -> vector<32x1024xf32>
    %reshape3A_112 = vector.shape_cast %transpose3A_111 : vector<32x1024xf32> to vector<32x32x32xf32>
    %swap3A_113 = arith.constant 4 : index
    %swap3A_114 = arith.constant 0 : index
    %swap3A_115 = arith.constant 0 : index
    %swap3A_116 = arith.constant 0 : index
    %swap3A_117 = vector.load %arg3[%swap3A_113, %swap3A_114, %swap3A_115, %swap3A_116] : memref<8x32x32x32xf32, #tpu.memory_space<vmem>>, vector<1x32x32x32xf32>
    %swap3A_118 = vector.shape_cast %swap3A_117 : vector<1x32x32x32xf32> to vector<32x32x32xf32>
    %swap3A_119 = vector.shape_cast %reshape3A_112 : vector<32x32x32xf32> to vector<1x32x32x32xf32>
    tpu.vector_store %arg3[%swap3A_113, %swap3A_114, %swap3A_115, %swap3A_116], %swap3A_119 {strides = array<i32>} : memref<8x32x32x32xf32, #tpu.memory_space<vmem>>, vector<1x32x32x32xf32>,
    %sub3A_120 = arith.subf %transpose3A_111, %reshape3A_107 : vector<32x1024xf32>
    %mul3A_121 = arith.mulf %sub3A_120, %sub3A_120 : vector<32x1024xf32>
    %reduce_sum3A_122 = vector.shape_cast %mul3A_121 : vector<32x1024xf32> to vector<1x32x1024xf32>
    %reduce_sum3A_123 = arith.constant dense<0.000000e+00> : vector<1xf32>
    %reduce_sum3A_124 = vector.multi_reduction <add>, %reduce_sum3A_122, %reduce_sum3A_123 [1, 2] : vector<1x32x1024xf32> to vector<1xf32>
    %reduce_sum3A_125 = vector.shape_cast %reduce_sum3A_124 : vector<1xf32> to vector<1x1x1xf32>
    %reduce_sum3A_126 = vector.extract %reduce_sum3A_125[0, 0, 0] : f32 from vector<1x1x1xf32>
    %add3A_127 = arith.addf %add3A_100, %reduce_sum3A_126 : f32
    %get3A_128 = arith.constant 5 : index
    %get3A_129 = arith.constant 0 : index
    %get3A_130 = arith.constant 0 : index
    %get3A_131 = arith.constant 0 : index
    %get3A_132 = vector.load %arg0[%get3A_128, %get3A_129, %get3A_130, %get3A_131] : memref<8x32x32x32xf32, #tpu.memory_space<vmem>>, vector<1x32x32x32xf32>
    %get3A_133 = vector.shape_cast %get3A_132 : vector<1x32x32x32xf32> to vector<32x32x32xf32>
    %reshape3A_134 = vector.shape_cast %get3A_133 : vector<32x32x32xf32> to vector<32x1024xf32>
    %get3A_135 = arith.constant 5120 : index
    %get3A_136 = arith.constant 0 : index
    %get3A_137 = vector.load %arg1[%get3A_135, %get3A_136] : memref<8192x32xf32, #tpu.memory_space<vmem>>, vector<1024x32xf32>
    %transpose3A_138 = tpu.transpose %get3A_137, [1, 0] : vector<1024x32xf32> -> vector<32x1024xf32>
    %reshape3A_139 = vector.shape_cast %transpose3A_138 : vector<32x1024xf32> to vector<32x32x32xf32>
    %swap3A_140 = arith.constant 5 : index
    %swap3A_141 = arith.constant 0 : index
    %swap3A_142 = arith.constant 0 : index
    %swap3A_143 = arith.constant 0 : index
    %swap3A_144 = vector.load %arg3[%swap3A_140, %swap3A_141, %swap3A_142, %swap3A_143] : memref<8x32x32x32xf32, #tpu.memory_space<vmem>>, vector<1x32x32x32xf32>
    %swap3A_145 = vector.shape_cast %swap3A_144 : vector<1x32x32x32xf32> to vector<32x32x32xf32>
    %swap3A_146 = vector.shape_cast %reshape3A_139 : vector<32x32x32xf32> to vector<1x32x32x32xf32>
    tpu.vector_store %arg3[%swap3A_140, %swap3A_141, %swap3A_142, %swap3A_143], %swap3A_146 {strides = array<i32>} : memref<8x32x32x32xf32, #tpu.memory_space<vmem>>, vector<1x32x32x32xf32>,
    %sub3A_147 = arith.subf %transpose3A_138, %reshape3A_134 : vector<32x1024xf32>
    %mul3A_148 = arith.mulf %sub3A_147, %sub3A_147 : vector<32x1024xf32>
    %reduce_sum3A_149 = vector.shape_cast %mul3A_148 : vector<32x1024xf32> to vector<1x32x1024xf32>
    %reduce_sum3A_150 = arith.constant dense<0.000000e+00> : vector<1xf32>
    %reduce_sum3A_151 = vector.multi_reduction <add>, %reduce_sum3A_149, %reduce_sum3A_150 [1, 2] : vector<1x32x1024xf32> to vector<1xf32>
    %reduce_sum3A_152 = vector.shape_cast %reduce_sum3A_151 : vector<1xf32> to vector<1x1x1xf32>
    %reduce_sum3A_153 = vector.extract %reduce_sum3A_152[0, 0, 0] : f32 from vector<1x1x1xf32>
    %add3A_154 = arith.addf %add3A_127, %reduce_sum3A_153 : f32
    %get3A_155 = arith.constant 6 : index
    %get3A_156 = arith.constant 0 : index
    %get3A_157 = arith.constant 0 : index
    %get3A_158 = arith.constant 0 : index
    %get3A_159 = vector.load %arg0[%get3A_155, %get3A_156, %get3A_157, %get3A_158] : memref<8x32x32x32xf32, #tpu.memory_space<vmem>>, vector<1x32x32x32xf32>
    %get3A_160 = vector.shape_cast %get3A_159 : vector<1x32x32x32xf32> to vector<32x32x32xf32>
    %reshape3A_161 = vector.shape_cast %get3A_160 : vector<32x32x32xf32> to vector<32x1024xf32>
    %get3A_162 = arith.constant 6144 : index
    %get3A_163 = arith.constant 0 : index
    %get3A_164 = vector.load %arg1[%get3A_162, %get3A_163] : memref<8192x32xf32, #tpu.memory_space<vmem>>, vector<1024x32xf32>
    %transpose3A_165 = tpu.transpose %get3A_164, [1, 0] : vector<1024x32xf32> -> vector<32x1024xf32>
    %reshape3A_166 = vector.shape_cast %transpose3A_165 : vector<32x1024xf32> to vector<32x32x32xf32>
    %swap3A_167 = arith.constant 6 : index
    %swap3A_168 = arith.constant 0 : index
    %swap3A_169 = arith.constant 0 : index
    %swap3A_170 = arith.constant 0 : index
    %swap3A_171 = vector.load %arg3[%swap3A_167, %swap3A_168, %swap3A_169, %swap3A_170] : memref<8x32x32x32xf32, #tpu.memory_space<vmem>>, vector<1x32x32x32xf32>
    %swap3A_172 = vector.shape_cast %swap3A_171 : vector<1x32x32x32xf32> to vector<32x32x32xf32>
    %swap3A_173 = vector.shape_cast %reshape3A_166 : vector<32x32x32xf32> to vector<1x32x32x32xf32>
    tpu.vector_store %arg3[%swap3A_167, %swap3A_168, %swap3A_169, %swap3A_170], %swap3A_173 {strides = array<i32>} : memref<8x32x32x32xf32, #tpu.memory_space<vmem>>, vector<1x32x32x32xf32>,
    %sub3A_174 = arith.subf %transpose3A_165, %reshape3A_161 : vector<32x1024xf32>
    %mul3A_175 = arith.mulf %sub3A_174, %sub3A_174 : vector<32x1024xf32>
    %reduce_sum3A_176 = vector.shape_cast %mul3A_175 : vector<32x1024xf32> to vector<1x32x1024xf32>
    %reduce_sum3A_177 = arith.constant dense<0.000000e+00> : vector<1xf32>
    %reduce_sum3A_178 = vector.multi_reduction <add>, %reduce_sum3A_176, %reduce_sum3A_177 [1, 2] : vector<1x32x1024xf32> to vector<1xf32>
    %reduce_sum3A_179 = vector.shape_cast %reduce_sum3A_178 : vector<1xf32> to vector<1x1x1xf32>
    %reduce_sum3A_180 = vector.extract %reduce_sum3A_179[0, 0, 0] : f32 from vector<1x1x1xf32>
    %add3A_181 = arith.addf %add3A_154, %reduce_sum3A_180 : f32
    %get3A_182 = arith.constant 7 : index
    %get3A_183 = arith.constant 0 : index
    %get3A_184 = arith.constant 0 : index
    %get3A_185 = arith.constant 0 : index
    %get3A_186 = vector.load %arg0[%get3A_182, %get3A_183, %get3A_184, %get3A_185] : memref<8x32x32x32xf32, #tpu.memory_space<vmem>>, vector<1x32x32x32xf32>
    %get3A_187 = vector.shape_cast %get3A_186 : vector<1x32x32x32xf32> to vector<32x32x32xf32>
    %reshape3A_188 = vector.shape_cast %get3A_187 : vector<32x32x32xf32> to vector<32x1024xf32>
    %get3A_189 = arith.constant 7168 : index
    %get3A_190 = arith.constant 0 : index
    %get3A_191 = vector.load %arg1[%get3A_189, %get3A_190] : memref<8192x32xf32, #tpu.memory_space<vmem>>, vector<1024x32xf32>
    %transpose3A_192 = tpu.transpose %get3A_191, [1, 0] : vector<1024x32xf32> -> vector<32x1024xf32>
    %reshape3A_193 = vector.shape_cast %transpose3A_192 : vector<32x1024xf32> to vector<32x32x32xf32>
    %swap3A_194 = arith.constant 7 : index
    %swap3A_195 = arith.constant 0 : index
    %swap3A_196 = arith.constant 0 : index
    %swap3A_197 = arith.constant 0 : index
    %swap3A_198 = vector.load %arg3[%swap3A_194, %swap3A_195, %swap3A_196, %swap3A_197] : memref<8x32x32x32xf32, #tpu.memory_space<vmem>>, vector<1x32x32x32xf32>
    %swap3A_199 = vector.shape_cast %swap3A_198 : vector<1x32x32x32xf32> to vector<32x32x32xf32>
    %swap3A_200 = vector.shape_cast %reshape3A_193 : vector<32x32x32xf32> to vector<1x32x32x32xf32>
    tpu.vector_store %arg3[%swap3A_194, %swap3A_195, %swap3A_196, %swap3A_197], %swap3A_200 {strides = array<i32>} : memref<8x32x32x32xf32, #tpu.memory_space<vmem>>, vector<1x32x32x32xf32>,
    %sub3A_201 = arith.subf %transpose3A_192, %reshape3A_188 : vector<32x1024xf32>
    %mul3A_202 = arith.mulf %sub3A_201, %sub3A_201 : vector<32x1024xf32>
    %reduce_sum3A_203 = vector.shape_cast %mul3A_202 : vector<32x1024xf32> to vector<1x32x1024xf32>
    %reduce_sum3A_204 = arith.constant dense<0.000000e+00> : vector<1xf32>
    %reduce_sum3A_205 = vector.multi_reduction <add>, %reduce_sum3A_203, %reduce_sum3A_204 [1, 2] : vector<1x32x1024xf32> to vector<1xf32>
    %reduce_sum3A_206 = vector.shape_cast %reduce_sum3A_205 : vector<1xf32> to vector<1x1x1xf32>
    %reduce_sum3A_207 = vector.extract %reduce_sum3A_206[0, 0, 0] : f32 from vector<1x1x1xf32>
    %add3A_208 = arith.addf %add3A_181, %reduce_sum3A_207 : f32
    %mul3A_209 = arith.constant 3.81469727E-6 : f32
    %mul3A_210 = arith.mulf %add3A_208, %mul3A_209 : f32
    %mul3A_211 = arith.constant 2.500000e-01 : f32
    %mul3A_212 = arith.mulf %mul3A_211, %mul3A_210 : f32
    %add3A_213 = arith.addf %mul3A_210, %mul3A_212 : f32
    %swap3A_214 = arith.constant 0 : index
    %swap3A_215 = arith.constant 0 : index
    %swap3A_216 = memref.load %arg4[%swap3A_214, %swap3A_215] : memref<1x1xf32, #tpu.memory_space<smem>>
    memref.store %add3A_213, %arg4[%swap3A_214, %swap3A_215] : memref<1x1xf32, #tpu.memory_space<smem>>
    %get3A_217 = arith.constant 0 : index
    %get3A_218 = arith.constant 0 : index
    %get3A_219 = vector.load %arg2[%get3A_217, %get3A_218] : memref<2x8192xf32, #tpu.memory_space<vmem>>, vector<1x8192xf32>
    %get3A_220 = arith.constant 1 : index
    %get3A_221 = arith.constant 0 : index
    %get3A_222 = vector.load %arg2[%get3A_220, %get3A_221] : memref<2x8192xf32, #tpu.memory_space<vmem>>, vector<1x8192xf32>
    %add3A_223 = arith.addf %get3A_219, %get3A_222 : vector<1x8192xf32>
    %mul3A_224 = arith.constant 1.22070313E-4 : f32
    %mul3A_225 = vector.broadcast %mul3A_224 : f32 to vector<1x8192xf32>
    %mul3A_226 = arith.mulf %add3A_223, %mul3A_225 : vector<1x8192xf32>
    %add3A_227 = arith.constant 1.000000e-10 : f32
    %add3A_228 = vector.broadcast %add3A_227 : f32 to vector<1x8192xf32>
    %add3A_229 = arith.addf %mul3A_226, %add3A_228 : vector<1x8192xf32>
    %log3A = math.log %add3A_229 : vector<1x8192xf32>
    %mul3A_230 = arith.mulf %mul3A_226, %log3A : vector<1x8192xf32>
    %reduce_sum3A_231 = vector.shape_cast %mul3A_230 : vector<1x8192xf32> to vector<1x1x8192xf32>
    %reduce_sum3A_232 = arith.constant dense<0.000000e+00> : vector<1xf32>
    %reduce_sum3A_233 = vector.multi_reduction <add>, %reduce_sum3A_231, %reduce_sum3A_232 [1, 2] : vector<1x1x8192xf32> to vector<1xf32>
    %reduce_sum3A_234 = vector.shape_cast %reduce_sum3A_233 : vector<1xf32> to vector<1x1x1xf32>
    %reduce_sum3A_235 = vector.extract %reduce_sum3A_234[0, 0, 0] : f32 from vector<1x1x1xf32>
    %neg3A = arith.constant 0.000000e+00 : f32
    %neg3A_236 = arith.subf %neg3A, %reduce_sum3A_235 : f32
    %exp3A = math.exp %neg3A_236 : f32
    %swap3A_237 = arith.constant 0 : index
    %swap3A_238 = arith.constant 0 : index
    %swap3A_239 = memref.load %arg5[%swap3A_237, %swap3A_238] : memref<1x1xf32, #tpu.memory_space<smem>>
    memref.store %exp3A, %arg5[%swap3A_237, %swap3A_238] : memref<1x1xf32, #tpu.memory_space<smem>>
    return
  }
}

</mosaic_0001>

<sc_bundles>
// kernel: kernel.5.cloned.1.call-start
scs
__scs_entry_jumppad:
0x0: {  	(pc) =	sbr.rel $0x88, $3  }
0x1: {  	(tag) =	ssettag $0x0;
	lr =	simm.s32 $0x1  }
0x2: {  	[smem:$0x3F9F] =	sst lr;
	_ =	strace $0xD0000000  }
0x3: {  	_ = 	snop  }
0x4: {  	_ = 	snop  }
0x5: {  	_ = 	snop  }
0x6: {  	_ = 	snop  }
0x7: {  	_ = 	snop  }
__scs_overlays_trampoline_lowered:
0x8: {  	[smem:$0x3FAE] =	sst s0  }
0x9: {  	[smem:$0x3FAF] =	sst s1  }
0xa: {  	[smem:$0x3FB0] =	sst s2  }
0xb: {  	[smem:$0x3FB1] =	sst s3  }
0xc: {  	[smem:$0x3FB2] =	sst s4  }
0xd: {  	[smem:$0x3FB3] =	sst s5  }
0xe: {  	[smem:$0x3FB4] =	sst s6  }
0xf: {  	[smem:$0x3FB5] =	sst s7  }
0x10: {  	[smem:$0x3FB6] =	sst s8  }
0x11: {  	[smem:$0x3FB7] =	sst s9;
	s0 =	simm.s32 @!p0 $0x0  }
0x12: {  	s1 =	sld [smem:$0x3F9D];
	s0 =	simm.s32 @p0 $0x1  }
0x13: {  	[smem:$0x3FB8] =	sst s0;
	s0 =	simm.s32 @!p1 $0x0  }
0x14: {  	s2 =	sld [smem:$0x3F9C];
	s0 =	simm.s32 @p1 $0x1  }
0x15: {  	[smem:$0x3FB9] =	sst s0;
	s0 =	simm.s32 @!p2 $0x0  }
0x16: {  	s3 =	sld [smem:$0x3FDB];
	s0 =	simm.s32 @p2 $0x1  }
0x17: {  	s4 =	simm.s32 $0x1BF5;
	[smem:$0x3FBB] =	sst s0  }
0x18: {  	s0 =	sld [smem:$0x3F9E];
	_ =	swait.ge [sflag:s4], $0x0  }
0x19: {  	s7 =	sld [smem:$0x3F9F]  }
0x1a: {  	s8 =	sadd.s32 $0xFFFFE003, lr  }
0x1b: {  	s9 =	sadd.s32 $0xFFFFFEF7, lr;
	s5 =	simm.s32 $0xFFFFFFFF;
	p2 =	slt.u32 s8, $0xFFFFF086  }
0x1c: {  	p1 =	slt.u32 s9, $0xF7A;
	s5 =	simm.s32 @!p2 $0x0  }
0x1d: {  	s5 =	simm.s32 @p1 $0x1;
	p0 =	seq.s32 s7, s2  }
0x1e: {  	s7 =	smul.u32 @!p0 $0xF7A, s2;
	p2 =	seq.s32 @!p0 s5, $0x0  }
0x1f: {  	s9 =	smul.u32 $0xF7A, s1;
	s8 =	simm.s32 @!p0 $0x1BF5;
	p2 =	por !p2, p0  }
0x20: {  	[sflag:s8] =	ssyncset.s32 @!p0 $0xFFFFF086;
	s6 =	sadd.s32 @!p0 s3, s7;
	s7 =	simm.s32 @!p0 $0x108  }
0x21: {  	s3 =	sadd.s32 s3, s9;
	s6 =	sadd.s32 @!p0 $0x88, s6;
	s7 =	simm.s32 @p2 $0x1082  }
0x22: {  	[simem:s7], [sflag:s8] =	dma.local @!p0 [hbm:s6], $0xF7A  }
0x23: {  	s9 =	sor.u32 $0xD0000000, s2;
	s6 =	simm.s32 $0x108;
	_ =	swait.ge @!p0 [sflag:s8], $0x0  }
0x24: {  	s3 =	sadd.s32 $0x88, s3;
	s6 =	simm.s32 @!p1 $0x1082;
	[sflag:s4] =	ssyncset.s32 $0xFFFFF086  }
0x25: {  	[simem:s6], [sflag:s4] =	dma.local [hbm:s3], $0xF7A  }
0x26: {  	[smem:$0x3F9F] =	sst s1;
	(tag) =	ssettag s2;
	_ =	strace s9  }
0x27: {  	s1 =	sld [smem:$0x3FAF]  }
0x28: {  	s2 =	sld [smem:$0x3FB0]  }
0x29: {  	s4 =	sld [smem:$0x3FB2]  }
0x2a: {  	p0 =	seq.s32 s5, $0x0;
	s5 =	sld [smem:$0x3FB3]  }
0x2b: {  	s6 =	sld [smem:$0x3FB4]  }
0x2c: {  	s7 =	sld [smem:$0x3FB5]  }
0x2d: {  	s3 =	simm.s32 $0x108;
	s8 =	sld [smem:$0x3FB6]  }
0x2e: {  	s3 =	simm.s32 @!p0 $0x1082;
	s9 =	sld [smem:$0x3FB7]  }
0x2f: {  	lr =	sadd.s32 s0, s3;
	s0 =	sld [smem:$0x3FAE]  }
0x30: {  	s3 =	sld [smem:$0x3FB1]  }
0x31: {  	[smem:$0x3FBA] =	sst s10  }
0x32: {  	s10 =	sld [smem:$0x3FB8];
	_ =	sdelay $0x3  }
0x33: {  	p0 =	seq.s32 s10, $0x1;
	s10 =	sld [smem:$0x3FBA];
	_ =	sdelay $0x3  }
0x34: {  	[smem:$0x3FBA] =	sst s10  }
0x35: {  	s10 =	sld [smem:$0x3FB9];
	_ =	sdelay $0x3  }
0x36: {  	p1 =	seq.s32 s10, $0x1;
	s10 =	sld [smem:$0x3FBA];
	_ =	sdelay $0x3  }
0x37: {  	[smem:$0x3FBA] =	sst s10  }
0x38: {  	s10 =	sld [smem:$0x3FBB]  }
0x39: {  	_ = 	snop;
	(pc) =	sbr.ind lr, $3  }
0x3a: {  	_ = 	snop  }
0x3b: {  	_ = 	snop  }
0x3c: {  	p2 =	seq.s32 s10, $0x1;
	s10 =	sld [smem:$0x3FBA]  }
0x3d: {  	_ =	shalt  }
0x3e: {  	_ =	shalt  }
0x3f: {  	_ =	shalt  }
0x40: {  	_ =	shalt  }
0x41: {  	_ =	shalt  }
0x42: {  	_ =	shalt  }
0x43: {  	_ =	shalt  }
0x44: {  	_ =	shalt  }
0x45: {  	_ =	shalt  }
0x46: {  	_ =	shalt  }
0x47: {  	_ =	shalt  }
0x48: {  	_ =	shalt  }
0x49: {  	_ =	shalt  }
0x4a: {  	_ =	shalt  }
0x4b: {  	_ =	shalt  }
0x4c: {  	_ =	shalt  }
0x4d: {  	_ =	shalt  }
0x4e: {  	_ =	shalt  }
0x4f: {  	_ =	shalt  }
0x50: {  	_ =	shalt  }
0x51: {  	_ =	shalt  }
0x52: {  	_ =	shalt  }
0x53: {  	_ =	shalt  }
0x54: {  	_ =	shalt  }
0x55: {  	_ =	shalt  }
0x56: {  	_ =	shalt  }
0x57: {  	_ =	shalt  }
0x58: {  	_ =	shalt  }
0x59: {  	_ =	shalt  }
0x5a: {  	_ =	shalt  }
0x5b: {  	_ =	shalt  }
0x5c: {  	_ =	shalt  }
0x5d: {  	_ =	shalt  }
0x5e: {  	_ =	shalt  }
0x5f: {  	_ =	shalt  }
0x60: {  	_ =	shalt  }
0x61: {  	_ =	shalt  }
0x62: {  	_ =	shalt  }
0x63: {  	_ =	shalt  }
0x64: {  	_ =	shalt  }
0x65: {  	_ =	shalt  }
0x66: {  	_ =	shalt  }
0x67: {  	_ =	shalt  }
0x68: {  	_ =	shalt  }
0x69: {  	_ =	shalt  }
0x6a: {  	_ =	shalt  }
0x6b: {  	_ =	shalt  }
0x6c: {  	_ =	shalt  }
0x6d: {  	_ =	shalt  }
0x6e: {  	_ =	shalt  }
0x6f: {  	_ =	shalt  }
0x70: {  	_ =	shalt  }
0x71: {  	_ =	shalt  }
0x72: {  	_ =	shalt  }
0x73: {  	_ =	shalt  }
0x74: {  	_ =	shalt  }
0x75: {  	_ =	shalt  }
0x76: {  	_ =	shalt  }
0x77: {  	_ =	shalt  }
0x78: {  	_ =	shalt  }
0x79: {  	_ =	shalt  }
0x7a: {  	_ =	shalt  }
0x7b: {  	_ =	shalt  }
0x7c: {  	_ =	shalt  }
0x7d: {  	_ =	shalt  }
0x7e: {  	_ =	shalt  }
0x7f: {  	_ =	shalt  }
0x80: {  	_ =	shalt  }
0x81: {  	_ =	shalt  }
0x82: {  	_ =	shalt  }
0x83: {  	_ =	shalt  }
0x84: {  	_ =	shalt  }
0x85: {  	_ =	shalt  }
0x86: {  	_ =	shalt  }
0x87: {  	_ =	shalt  }
.Lfunc_end0:
.L_simem_size_0:
called_computation_lowered:
.L_overlay_start_0:
0x88: {  	s2 =	sld [smem:$0x3FD9]  }
0x89: {  	s3 =	sld [smem:$0x3FFE];
	_ =	sdelay $0x1  }
0x8a: {  	s1 =	srdreg.scid  }
0x8b: {  	s0 =	sand.u32 $0x1, s1  }
0x8c: {  	s14 =	sshll.u32 s0, $0xA;
	s2 =	sadd.s32 s3, s2  }
0x8d: {  	s2 =	sadd.s32 s2, s14  }
0x8e: {  	[smem:$0x3FC6] =	sst s2  }
0x8f: {  	_ = 	snop  }
0x90: {  	s2 =	sld [smem:$0x3FD0];
	_ =	sdelay $0x2  }
0x91: {  	s15 =	simm.s32 $0xA;
	s4 =	simm.s32 $0x10  }
0x92: {  	[smem:s4], [sflag:s15] =	dma.local [hbm:s2], $0x1  }
0x93: {  	_ =	swait.eq [sflag:s15], $0x1  }
0x94: {  	[sflag:s15] =	ssyncset.done $0x0  }
0x95: {  	[sflag:s15] =	ssyncadd.s32 $0xFFFFFFFF  }
0x96: {  	s16 =	sld [smem:$0x10];
	(tm) =	ssettm $0x1  }
0x97: {  	s17 =	sld [smem:$0x3FFB];
	_ =	sdelay $0x3  }
0x98: {  	_ =	strace s17  }
0x99: {  	s3 =	sld [smem:$0x3FFC];
	_ =	sdelay $0x3  }
0x9a: {  	_ =	strace s3  }
0x9b: {  	s3 =	sld [smem:$0x3FFD];
	_ =	sdelay $0x3  }
0x9c: {  	_ =	strace s3  }
0x9d: {  	_ =	strace $0x8FFFFFFF  }
0x9e: {  	s18 =	sld [smem:$0x3FDB];
	_ =	sdelay $0x1  }
0x9f: {  	s19 =	simm.s32 $_scs_section_size  }
0xa0: {  	s5 =	simm.s32 $_size__tile_overlayer_lowered;
	s6 =	simm.s32 $_tile_overlayer_lowered  }
0xa1: {  	s22 =	simm.s32 $0x1BFF;
	s21 =	sshll.u32 s6, $0x1;
	s3 =	sadd.s32 s19, s18  }
0xa2: {  	s7 =	simm.s32 $0x0;
	s20 =	sshll.u32 s5, $0x1;
	s5 =	sadd.s32 s21, s3  }
0xa3: {  	[timem:s7], [sflag:s22] =	dma.local [hbm:s5], s20  }
0xa4: {  	_ =	swait.ge [sflag:s22], s20  }
0xa5: {  	s4 =	ssub.s32 $0x0, s20;
	[sflag:s22] =	ssyncset.done $0x0  }
0xa6: {  	[sflag:s22] =	ssyncadd.s32 s4;
	_ =	sdelay $0x1  }
0xa7: {  	s23 =	simm.s32 $0x1B8B  }
0xa8: {  	_ =	swait.ge [sflag:s23], $0x1  }
0xa9: {  	[sflag:s23] =	ssyncset.done $0x0  }
0xaa: {  	s25 =	simm.s32 $0x1B8E;
	s24 =	sld [smem:$0x3FFE];
	[sflag:s23] =	ssyncadd.s32 $0xFFFFFFFF  }
0xab: {  	s26 =	simm.s32 $execute0_lowered;
	[smem:$0x3FD2] =	sst s25  }
0xac: {  	s5 =	sshll.u32 s26, $0x1;
	_ =	strace $0x80000046;
	[dreg:$0x1] =	wrdreg $0xFFFFFFFF  }
0xad: {  	s28 =	simm.s32 $_size_execute0_lowered;
	s3 =	sadd.s32 s3, s5;
	[dreg:$0x0] =	wrdreg $0x0  }
0xae: {  	s5 =	sshll.u32 s28, $0x1;
	[dreg:$0x2] =	wrdreg s3  }
0xaf: {  	[dreg:$0x3] =	wrdreg s5  }
0xb0: {  	[dreg:$0x4] =	wrdreg $0xC0  }
0xb1: {  	_ =	task [dreg:s7], $0x5FFFF  }
0xb2: {  	[dreg:$0x1] =	wrdreg $0xFFFFFFFF  }
0xb3: {  	[dreg:$0x0] =	wrdreg $0x60  }
0xb4: {  	[dreg:$0x2] =	wrdreg s24  }
0xb5: {  	[dreg:$0x3] =	wrdreg s16  }
0xb6: {  	[dreg:$0x4] =	wrdreg $0x23800  }
0xb7: {  	[dreg:$0x5] =	wrdreg $0x9  }
0xb8: {  	_ =	task.clear_ibuf [dreg:s7], $0x6FFFF;
	_ =	strace $0x90000046  }
0xb9: {  	s29 =	simm.s32 $0x9;
	_ =	strace $0x80000048  }
0xba: {  	_ =	swait.ge [sflag:s29], $0x1  }
0xbb: {  	[sflag:s29] =	ssyncadd.s32 $0xFFFFFFFF  }
0xbc: {  	_ =	strace $0x90000048  }
0xbd: {  	_ =	sfence  }
0xbe: {  	s30 =	sld [smem:$0x0];
	_ =	sdelay $0x2  }
0xbf: {  	s31 =	sshll.u32 s1, $0xD;
	s1 =	sshrl.u32 s1, $0x2  }
0xc0: {  	s3 =	sand.u32 $0x4000, s31;
	s1 =	sadd.s32 s1, s30  }
0xc1: {  	s0 =	sor.u32 s3, s0;
	s1 =	sshll.u32 s1, $0x11  }
0xc2: {  	s0 =	sor.u32 s1, s0  }
0xc3: {  	s0 =	sadd.s32 $0x8F2B, s0  }
0xc4: {  	[sflag:s0] =	ssyncadd.remote.s32 $0x1  }
0xc5: {  	_ =	sfence.sel $0xFFFF  }
0xc6: {  	[dreg:$0x0] =	wrdreg $0xFFFFFFFF;
	(pc) =	sbr.abs _section_cstart, $3  }
0xc7: {  	[dreg:$0x1] =	wrdreg $0xFFFFFFFF  }
0xc8: {  	_ =	task.clear_ibuf [dreg:s7], $0x2FFFF;
	_ =	strace $0x9FFFFFFF  }
0xc9: {  	(tm) =	ssettm $0x7FFFFFFF  }
tec
execute0_lowered:
.L_overlay_start_1:
0x0: {  	(tag) =	ssettag $0x1  }
0x1: {  	s15 =	rddreg [dreg:$0x0]  }
0x2: {  	s1 =	rddreg [dreg:$0x1]  }
0x3: {  	s2 =	rddreg [dreg:$0x2];
	s3 =	simm.s32 $0x0  }
0x4: {  	v0 =	vimm.f32 $1.000000000e+00;
	[smem:$0x7FF] =	sst s3  }
0x5: {  	s0 =	rddreg [dreg:$0x3];
	_ =	strace $0x80000047;
	[tilespmem:$0x2120] =	vst v0  }
0x6: {  	[tilespmem:$0x2130] =	vst v0  }
0x7: {  	[tilespmem:$0x2140] =	vst v0  }
0x8: {  	[tilespmem:$0x2150] =	vst v0  }
0x9: {  	[tilespmem:$0x2160] =	vst v0  }
0xa: {  	v1 =	vimm.f32 $0.0e+00;
	[tilespmem:$0x2170] =	vst v0  }
0xb: {  	[tilespmem:$0x2180] =	vst v1  }
0xc: {  	[tilespmem:$0x2190] =	vst v1  }
0xd: {  	[tilespmem:$0x21A0] =	vst v1  }
0xe: {  	[tilespmem:$0x21B0] =	vst v1  }
0xf: {  	[tilespmem:$0x21C0] =	vst v1  }
0x10: {  	[tilespmem:$0x21D0] =	vst v1  }
0x11: {  	[tilespmem:$0x21E0] =	vst v1  }
0x12: {  	[tilespmem:$0x21F0] =	vst v1  }
0x13: {  	[tilespmem:$0x2100] =	vst v0  }
0x14: {  	[tilespmem:$0x2370] =	vst v1  }
0x15: {  	[tilespmem:$0x2360] =	vst v1  }
0x16: {  	[tilespmem:$0x2350] =	vst v1  }
0x17: {  	[tilespmem:$0x2340] =	vst v1  }
0x18: {  	[tilespmem:$0x2330] =	vst v1  }
0x19: {  	[tilespmem:$0x2320] =	vst v1  }
0x1a: {  	[tilespmem:$0x2310] =	vst v1  }
0x1b: {  	[tilespmem:$0x2300] =	vst v1  }
0x1c: {  	[tilespmem:$0x22F0] =	vst v1  }
0x1d: {  	[tilespmem:$0x22E0] =	vst v1  }
0x1e: {  	[tilespmem:$0x22D0] =	vst v1  }
0x1f: {  	[tilespmem:$0x22C0] =	vst v1  }
0x20: {  	[tilespmem:$0x22B0] =	vst v1  }
0x21: {  	[tilespmem:$0x22A0] =	vst v1  }
0x22: {  	[tilespmem:$0x2290] =	vst v1  }
0x23: {  	[tilespmem:$0x2280] =	vst v1  }
0x24: {  	[tilespmem:$0x2270] =	vst v1  }
0x25: {  	[tilespmem:$0x2260] =	vst v1  }
0x26: {  	s4 =	srdreg.scid;
	[tilespmem:$0x2250] =	vst v1  }
0x27: {  	s16 =	sand.u32 $0x1, s4;
	[tilespmem:$0x2240] =	vst v1  }
0x28: {  	s4 =	stileid.u32;
	s5 =	sshll.u32 s16, $0x4;
	[tilespmem:$0x2230] =	vst v1  }
0x29: {  	[tilespmem:$0x2220] =	vst v1;
	s11 =	sor.u32 s4, s5  }
0x2a: {  	[tilespmem:$0x2210] =	vst v1;
	s5 =	sshll.u32 s11, $0x5  }
0x2b: {  	[tilespmem:$0x2200] =	vst v1;
	s5 =	sadd.s32 s5, s15  }
0x2c: {  	[tilespmem:$0x2110] =	vst v0;
	s6 =	sadd.s32 $0x1000, s5;
	s5 =	simm.s32 $0x2  }
0x2d: {  	[tilespmem:s3], [sflag:$0x2] =	stream.linear.gather [hbm4b:s6+s3], $0x100, $0x38;
	[tilespmem:$0x2580] =	vst v63  }
0x2e: {  	_ =	swait.ge [sflag:s5], $0x100  }
0x2f: {  	[sflag:s5] =	ssyncset.done $0x0  }
0x30: {  	s7 =	simm.s32 $0x80;
	s8 =	simm.s32 $0x100;
	[sflag:s5] =	ssyncadd.s32 $0xFFFFFF00  }
0x31: {  	[tilespmem:s8], [sflag:$0x1] =	stream.indirect.gather [hbm4b:s1+s7], $0x20, s3, s7, $0xb8;
	[tilespmem:$0x2580] =	vst v63  }
0x32: {  	s9 =	simm.s32 $0x1100;
	s10 =	simm.s32 $0x1  }
0x33: {  	[tilespmem:s9], [sflag:$0x1] =	stream.indirect.gather [hbm4b:s1+s7], $0x20, s7, s7, $0xb8;
	[tilespmem:$0x2580] =	vst v63  }
0x34: {  	_ =	swait.ge [sflag:s10], $0x1000  }
0x35: {  	[sflag:s10] =	ssyncset.done $0x0  }
0x36: {  	[sflag:s10] =	ssyncadd.s32 $0xFFFFF000  }
0x37: {  	s11 =	sshll.u32 s11, $0xA;
	_ =	swait.ge [sflag:s10], $0x1000  }
0x38: {  	s11 =	sadd.s32 s11, s15;
	[sflag:s10] =	ssyncset.done $0x0  }
0x39: {  	s11 =	sadd.s32 $0x1C00, s11;
	[sflag:s10] =	ssyncadd.s32 $0xFFFFF000  }
0x3a: {  	[hbm4b:s11+s3] =	stream.linear.scatter [tilespmem:s8], [sflag:$0x2], $0x2000, $0x38;
	[tilespmem:$0x2580] =	vst v63  }
0x3b: {  	_ =	swait.ge [sflag:s5], $0x2000  }
0x3c: {  	s17 =	sshll.u32 s4, $0x9;
	[sflag:s5] =	ssyncset.done $0x0  }
0x3d: {  	s13 =	simm.s32 $0x2180;
	s12 =	sadd.s32 s17, s2;
	[sflag:s5] =	ssyncadd.s32 $0xFFFFE000  }
0x3e: {  	[spmem:s12] =	stream.linear.scatter [tilespmem:s13], [sflag:$0x2], $0x200, $0x38;
	[tilespmem:$0x2580] =	vst v63  }
0x3f: {  	_ =	swait.ge [sflag:s5], $0x200  }
0x40: {  	[sflag:s5] =	ssyncset.done $0x0  }
0x41: {  	[sflag:s5] =	ssyncadd.s32 $0xFFFFFE00  }
0x42: {  	s14 =	simm.s32 $0x2100;
	[bflag:$0x0] =	sbarrier.arrive $0xFFFF  }
0x43: {  	[spmem:s2] =	stream.indirect.scatter.add.f32 [tilespmem:s14], [sflag:$0x2], $0x1, s3, s7, $0xb8;
	[tilespmem:$0x2580] =	vst v63  }
0x44: {  	s18 =	sshll.u32 s16, $0xD;
	s16 =	ssub.s32 $0x2, s16;
	_ =	swait.ge [sflag:s5], $0x80  }
0x45: {  	s31 =	sshll.u32 s4, $0x6;
	s29 =	sshrl.u32 s16, $0x1;
	[sflag:s5] =	ssyncset.done $0x0  }
0x46: {  	s17 =	sor.u32 s17, s18;
	s16 =	ssub.s32 s16, s29;
	[sflag:s5] =	ssyncadd.s32 $0xFFFFFF80  }
0x47: {  	[spmem:s2] =	stream.indirect.scatter.add.f32 [tilespmem:s14], [sflag:$0x2], $0x1, s7, s7, $0xb8;
	[tilespmem:$0x2580] =	vst v63  }
0x48: {  	s17 =	sshrl.u32 s17, $0x3;
	s30 =	smax.u32 s16, $0x1;
	_ =	swait.ge [sflag:s5], $0x80  }
0x49: {  	s15 =	sadd.s32 s17, s15;
	p0 =	sne.s32 s30, $0x1;
	[sflag:s5] =	ssyncset.done $0x0  }
.Ltmp0:
0x4a: {  	s16 =	sor.u32 $0x1C02, s31;
	[sflag:s5] =	ssyncadd.s32 $0xFFFFFF80;
	(pc) =	sbr.rel @!p0 .LBB2_2-.Ltmp0, $4  }
0x4b: {  	s17 =	sshrl.u32 s12, $0x3;
	s15 =	sadd.s32 $0x1400, s15;
	[bflag:$0x0] =	sbarrier.arrive $0xFFFF  }
0x4c: {  	[hbm:s15], [sflag:s16] =	dma.local [spmem:s17], $0x40  }
0x4d: {  	_ =	swait.ge [sflag:s5], $0x40  }
0x4e: {  	s18 =	sadd.s32 $0xFFFFFFFF, s30;
	[sflag:s5] =	ssyncset.done $0x0  }
.LBB2_1:
0x4f: {  	p0 =	sne.s32 s18, $0x1;
	s18 =	sadd.s32 $0xFFFFFFFF, s18;
	[sflag:s5] =	ssyncadd.s32 $0xFFFFFFC0  }
0x50: {  	[tilespmem:$0x2120] =	vst v0  }
0x51: {  	[tilespmem:$0x2130] =	vst v0  }
0x52: {  	[tilespmem:$0x2140] =	vst v0  }
0x53: {  	[tilespmem:$0x2150] =	vst v0  }
0x54: {  	[tilespmem:$0x2160] =	vst v0  }
0x55: {  	[tilespmem:$0x2170] =	vst v0  }
0x56: {  	[tilespmem:$0x2180] =	vst v1  }
0x57: {  	[tilespmem:$0x2190] =	vst v1  }
0x58: {  	[tilespmem:$0x21A0] =	vst v1  }
0x59: {  	[tilespmem:$0x21B0] =	vst v1  }
0x5a: {  	[tilespmem:$0x21C0] =	vst v1  }
0x5b: {  	[tilespmem:$0x21D0] =	vst v1  }
0x5c: {  	[tilespmem:$0x21E0] =	vst v1  }
0x5d: {  	[tilespmem:$0x21F0] =	vst v1  }
0x5e: {  	[tilespmem:$0x2100] =	vst v0  }
0x5f: {  	[tilespmem:$0x2370] =	vst v1  }
0x60: {  	[tilespmem:$0x2360] =	vst v1  }
0x61: {  	[tilespmem:$0x2350] =	vst v1  }
0x62: {  	[tilespmem:$0x2340] =	vst v1  }
0x63: {  	[tilespmem:$0x2330] =	vst v1  }
0x64: {  	[tilespmem:$0x2320] =	vst v1  }
0x65: {  	[tilespmem:$0x2310] =	vst v1  }
0x66: {  	[tilespmem:$0x2300] =	vst v1  }
0x67: {  	[tilespmem:$0x22F0] =	vst v1  }
0x68: {  	[tilespmem:$0x22E0] =	vst v1  }
0x69: {  	[tilespmem:$0x22D0] =	vst v1  }
0x6a: {  	[tilespmem:$0x22C0] =	vst v1  }
0x6b: {  	[tilespmem:$0x22B0] =	vst v1  }
0x6c: {  	[tilespmem:$0x22A0] =	vst v1  }
0x6d: {  	[tilespmem:$0x2290] =	vst v1  }
0x6e: {  	[tilespmem:$0x2280] =	vst v1  }
0x6f: {  	[tilespmem:$0x2270] =	vst v1  }
0x70: {  	[tilespmem:$0x2260] =	vst v1  }
0x71: {  	[tilespmem:$0x2250] =	vst v1  }
0x72: {  	[tilespmem:$0x2240] =	vst v1  }
0x73: {  	[tilespmem:$0x2230] =	vst v1  }
0x74: {  	[tilespmem:$0x2220] =	vst v1  }
0x75: {  	[tilespmem:$0x2210] =	vst v1  }
0x76: {  	[tilespmem:$0x2200] =	vst v1  }
0x77: {  	[tilespmem:$0x2110] =	vst v0  }
0x78: {  	[tilespmem:s3], [sflag:$0x2] =	stream.linear.gather [hbm4b:s6+s3], $0x100, $0x38;
	[tilespmem:$0x2580] =	vst v63  }
0x79: {  	_ =	swait.ge [sflag:s5], $0x100  }
0x7a: {  	[sflag:s5] =	ssyncset.done $0x0  }
0x7b: {  	[sflag:s5] =	ssyncadd.s32 $0xFFFFFF00  }
0x7c: {  	[tilespmem:s8], [sflag:$0x1] =	stream.indirect.gather [hbm4b:s1+s7], $0x20, s3, s7, $0xb8;
	[tilespmem:$0x2580] =	vst v63  }
0x7d: {  	_ = 	snop  }
0x7e: {  	[tilespmem:s9], [sflag:$0x1] =	stream.indirect.gather [hbm4b:s1+s7], $0x20, s7, s7, $0xb8;
	[tilespmem:$0x2580] =	vst v63  }
0x7f: {  	_ =	swait.ge [sflag:s10], $0x1000  }
0x80: {  	[sflag:s10] =	ssyncset.done $0x0  }
0x81: {  	[sflag:s10] =	ssyncadd.s32 $0xFFFFF000  }
0x82: {  	_ =	swait.ge [sflag:s10], $0x1000  }
0x83: {  	[sflag:s10] =	ssyncset.done $0x0  }
0x84: {  	[sflag:s10] =	ssyncadd.s32 $0xFFFFF000  }
0x85: {  	[hbm4b:s11+s3] =	stream.linear.scatter [tilespmem:s8], [sflag:$0x2], $0x2000, $0x38;
	[tilespmem:$0x2580] =	vst v63  }
0x86: {  	_ =	swait.ge [sflag:s5], $0x2000  }
0x87: {  	[sflag:s5] =	ssyncset.done $0x0  }
0x88: {  	[sflag:s5] =	ssyncadd.s32 $0xFFFFE000  }
0x89: {  	[spmem:s12] =	stream.linear.scatter [tilespmem:s13], [sflag:$0x2], $0x200, $0x38;
	[tilespmem:$0x2580] =	vst v63  }
0x8a: {  	_ =	swait.ge [sflag:s5], $0x200  }
0x8b: {  	[sflag:s5] =	ssyncset.done $0x0  }
0x8c: {  	[sflag:s5] =	ssyncadd.s32 $0xFFFFFE00  }
0x8d: {  	[bflag:$0x0] =	sbarrier.arrive $0xFFFF  }
0x8e: {  	[spmem:s2] =	stream.indirect.scatter.add.f32 [tilespmem:s14], [sflag:$0x2], $0x1, s3, s7, $0xb8;
	[tilespmem:$0x2580] =	vst v63  }
0x8f: {  	_ =	swait.ge [sflag:s5], $0x80  }
0x90: {  	[sflag:s5] =	ssyncset.done $0x0  }
0x91: {  	[sflag:s5] =	ssyncadd.s32 $0xFFFFFF80  }
0x92: {  	[spmem:s2] =	stream.indirect.scatter.add.f32 [tilespmem:s14], [sflag:$0x2], $0x1, s7, s7, $0xb8;
	[tilespmem:$0x2580] =	vst v63  }
0x93: {  	_ =	swait.ge [sflag:s5], $0x80  }
0x94: {  	[sflag:s5] =	ssyncset.done $0x0  }
.Ltmp1:
0x95: {  	[sflag:s5] =	ssyncadd.s32 $0xFFFFFF80;
	(pc) =	sbr.rel @p0 .LBB2_1-.Ltmp1, $4  }
0x96: {  	[bflag:$0x0] =	sbarrier.arrive $0xFFFF  }
0x97: {  	[hbm:s15], [sflag:s16] =	dma.local [spmem:s17], $0x40  }
0x98: {  	_ =	swait.ge [sflag:s5], $0x40  }
0x99: {  	[sflag:s5] =	ssyncset.done $0x0  }
.LBB2_2:
0x9a: {  	[sflag:s5] =	ssyncadd.s32 $0xFFFFFFC0  }
0x9b: {  	_ =	sfence.sel $0x180000  }
0x9c: {  	[bflag:$0x0] =	sbarrier.arrive $0xFFFF  }
0x9d: {  	p0 =	sne.s32 s4, $0x0;
	_ =	strace $0x90000047  }
0x9e: {  	s0 =	sadd.s32 @!p0 $0x100000, s0;
	[bflag:$0x2] =	sbarrier.arrive $0xFFFF  }
0x9f: {  	[sflag:s0] =	ssyncadd.tile.s32 @!p0 $0x1;
	_ =	shalt  }
.Lfunc_end2:
_tile_overlayer_lowered:
.L_overlay_start_2:
0xa0: {  	(tag) =	ssettag $0x2  }
0xa1: {  	s0 =	rddreg [dreg:$0x0];
	s2 =	stileid.u32  }
0xa2: {  	s1 =	rddreg [dreg:$0x1];
	p0 =	sne.s32 s2, $0x0  }
0xa3: {  	s3 =	rddreg [dreg:$0x2];
	[bflag:$0x3] =	sbarrier.arrive $0xFFFF;
	s2 =	simm.s32 @!p0 $0x1C02  }
0xa4: {  	[timem:s3], [sflag:s2] =	dma.local @!p0 [hbm:s0], s1  }
0xa5: {  	s0 =	simm.s32 @!p0 $0x2  }
0xa6: {  	_ =	swait.ge @!p0 [sflag:s0], s1  }
0xa7: {  	s1 =	ssub.s32 @!p0 $0x0, s1;
	[sflag:s0] =	ssyncset.done @!p0 $0x0  }
0xa8: {  	[sflag:s0] =	ssyncadd.s32 @!p0 s1  }
0xa9: {  	[bflag:$0x3] =	sbarrier.arrive $0xFFFF  }
0xaa: {  	_ =	shalt  }

</sc_bundles>
